<compile_context>
chip_gen: v7x
topology: tpu7x:2x2x1
jax: 0.10.2.dev20260603
libtpu: 0.0.44.dev20260713+nightly
codegen_flags: <defaults>
</compile_context>

<pallas_src>
import functools

import jax
import jax.numpy as jnp
from jax import lax
from jax.experimental import pallas as pl
from jax.experimental.pallas import tpu as pltpu
from jax.experimental.pallas import tpu_sc as plsc

_BASE_LEN = 2048
_CH = 43
_NBUF = 2
_DEPTH = 1
_LAG = 1
_NSUB = 16
_BLK = 1032


def _sc_bulk_body(vc, vo, *scratch):
    shared = scratch[:_NBUF]
    in_sems = scratch[_NBUF:2 * _NBUF]
    out_sems = scratch[2 * _NBUF:3 * _NBUF]
    out_len = vo.shape[1]
    half_rows = out_len // 2
    n_chunks = half_rows // _CH

    c = lax.axis_index("c")
    s = lax.axis_index("s")
    b = s
    r0 = c * half_rows
    bufs = tuple(sh.at[s] for sh in shared)

    in_h = [None] * n_chunks
    out_h = [None] * n_chunks

    def start_in(t):
        return pltpu.async_copy(
            vc.at[b, pl.ds(r0 + t * _CH, _CH)], bufs[t % _NBUF], in_sems[t % _NBUF]
        )

    def start_out(t):
        return pltpu.async_copy(
            bufs[t % _NBUF], vo.at[b, pl.ds(r0 + t * _CH, _CH)], out_sems[t % _NBUF]
        )

    for t in range(min(_DEPTH, n_chunks)):
        in_h[t] = start_in(t)
    for t in range(n_chunks):
        if t - _LAG >= 0:
            out_h[t - _LAG].wait()
        nxt = t + _DEPTH
        if nxt < n_chunks:
            in_h[nxt] = start_in(nxt)
        in_h[t].wait()
        out_h[t] = start_out(t)
    for t in range(max(0, n_chunks - _LAG), n_chunks):
        out_h[t].wait()


def _tc_bulk_body(kc, ko):
    ko[...] = kc[...]


def _patch_body(pos_ref, kv, vv, _ka, _va, ko, vo, sk, sv):
    seq = kv.shape[1]
    pos = pos_ref[0]
    ck = pltpu.make_async_copy(kv, ko.at[:, pl.ds(pos, seq)], sk)
    cv = pltpu.make_async_copy(vv, vo.at[:, pl.ds(pos, seq)], sv)
    ck.start()
    cv.start()
    ck.wait()
    cv.wait()


def kernel(k_cache, v_cache, input_pos, k_val, v_val):
    bs, seq, n_heads, head_dim = k_val.shape
    out_len = _BASE_LEN + seq
    pos = jnp.asarray(input_pos, dtype=jnp.int32).reshape(1)
    out_sd = jax.ShapeDtypeStruct((bs, out_len, n_heads, head_dim), k_cache.dtype)

    n_blk = out_len // _BLK
    blk = (1, _BLK, n_heads, head_dim)
    k_bulk = pl.pallas_call(
        _tc_bulk_body,
        grid=(bs, n_blk),
        out_shape=out_sd,
        in_specs=[pl.BlockSpec(blk, lambda b, i: (b, i, 0, 0))],
        out_specs=pl.BlockSpec(blk, lambda b, i: (b, i, 0, 0)),
    )(k_cache)

    mesh = plsc.VectorSubcoreMesh(core_axis_name="c", subcore_axis_name="s")
    sc_fn = functools.partial(
        pl.kernel,
        out_type=out_sd,
        mesh=mesh,
        scratch_types=(
            [pltpu.VMEM_SHARED((_NSUB, _CH, n_heads, head_dim), k_cache.dtype)
             for _ in range(_NBUF)]
            + [pltpu.SemaphoreType.DMA] * (2 * _NBUF)
        ),
        compiler_params=pltpu.CompilerParams(use_tc_tiling_on_sc=True),
    )(_sc_bulk_body)
    v_bulk = sc_fn(v_cache)

    k_out, v_out = pl.pallas_call(
        _patch_body,
        out_shape=(out_sd, out_sd),
        in_specs=[
            pl.BlockSpec(memory_space=pltpu.SMEM),
            pl.BlockSpec(memory_space=pl.ANY),
            pl.BlockSpec(memory_space=pl.ANY),
            pl.BlockSpec(memory_space=pl.ANY),
            pl.BlockSpec(memory_space=pl.ANY),
        ],
        out_specs=(
            pl.BlockSpec(memory_space=pl.ANY),
            pl.BlockSpec(memory_space=pl.ANY),
        ),
        scratch_shapes=[pltpu.SemaphoreType.DMA] * 2,
        input_output_aliases={3: 0, 4: 1},
    )(pos, k_val, v_val, k_bulk, v_bulk)
    return (k_out, v_out)

# --- scband reference (transcript-rebuilt; emitter-appended) ---
"""Pipeline reference for scband-kvcache-13967233647264 (READ-ONLY COPY).

The authoritative reference and input builder live on the scoring server;
editing this copy changes nothing except your own understanding.
"""

import jax, jax.numpy as jnp
import numpy as np

MAX_BS = 16
MAX_SEQ = 4096
N_HEADS = 16
HEAD_DIM = 128
BS = 16
SEQ_LEN = 16
INPUT_POS = 2048


def setup_inputs(seed: int = 0) -> dict:
    key = jax.random.key(seed)
    k1, k2 = jax.random.split(key)
    k_val = jax.random.normal(k1, (BS, SEQ_LEN, N_HEADS, HEAD_DIM), dtype=jnp.float32).astype(jnp.bfloat16)
    v_val = jax.random.normal(k2, (BS, SEQ_LEN, N_HEADS, HEAD_DIM), dtype=jnp.float32).astype(jnp.bfloat16)
    k_cache = jnp.zeros((MAX_BS, MAX_SEQ, N_HEADS, HEAD_DIM), dtype=jnp.bfloat16)
    v_cache = jnp.zeros((MAX_BS, MAX_SEQ, N_HEADS, HEAD_DIM), dtype=jnp.bfloat16)
    return {"k_cache": k_cache, "v_cache": v_cache, "input_pos": INPUT_POS, "k_val": k_val, "v_val": v_val}


def reference(k_cache, v_cache, input_pos, k_val, v_val):
    bs = k_val.shape[0]
    seq_len = k_val.shape[1]
    # scatter-overwrite into the cache at the given positions
    pos = jnp.asarray(input_pos, dtype=jnp.int32)
    zero = jnp.zeros((), dtype=jnp.int32)
    starts = (zero, pos, zero, zero)
    new_k = jax.lax.dynamic_update_slice(k_cache, k_val, starts)
    new_v = jax.lax.dynamic_update_slice(v_cache, v_val, starts)
    out_len = INPUT_POS + seq_len
    k_out = new_k[:bs, :out_len]
    v_out = new_v[:bs, :out_len]
    return (k_out, v_out)

if __name__ == "__main__":
    import jax
    _d = setup_inputs()
    print(jax.jit(kernel)(*tuple(_d.values())))

</pallas_src>

<mosaic_0001>
#map = affine_map<(d0, d1) -> (0, 0, 0, 0)>
module attributes {stable_mosaic.version = 14 : i64} {
  func.func @_sc_bulk_body(%arg0: i32, %arg1: i32, %arg2: memref<16x4096x16x128xbf16, #tpu.memory_space<hbm>>, %arg3: memref<16x2064x16x128xbf16, #tpu.memory_space<hbm>>, %arg4: memref<16x43x16x128xbf16, #tpu.memory_space<vmem_shared>>, %arg5: memref<16x43x16x128xbf16, #tpu.memory_space<vmem_shared>>, %arg6: memref<!tpu.dma_semaphore, #tpu.memory_space<semaphore_mem>>, %arg7: memref<!tpu.dma_semaphore, #tpu.memory_space<semaphore_mem>>, %arg8: memref<!tpu.dma_semaphore, #tpu.memory_space<semaphore_mem>>, %arg9: memref<!tpu.dma_semaphore, #tpu.memory_space<semaphore_mem>>) attributes {dimension_semantics = [#tpu.dimension_semantics<core_parallel>, #tpu.dimension_semantics<subcore_parallel>], iteration_bounds = array<i64: 2, 16>, scalar_prefetch = 0 : i64, scratch_operands = 6 : i64, tpu.core_type = #tpu.core_type<sc_vector_subcore>, window_params = [{transform_indices = #map}, {transform_indices = #map}]} {
    %mul3A = arith.constant 1032 : i32
    %mul3A_0 = arith.muli %arg0, %mul3A : i32
    %add3A = arith.constant 0 : i32
    %add3A_1 = arith.addi %mul3A_0, %add3A : i32
    %dma_start3A = arith.constant 0 : i32
    %dma_start3A_2 = arith.constant 0 : i32
    %dma_start3A_3 = arith.constant 0 : i32
    %dma_start3A_4 = tpu.memref_slice %arg4[%arg1, %dma_start3A, %dma_start3A_2, %dma_start3A_3] : memref<16x43x16x128xbf16, #tpu.memory_space<vmem_shared>> -> memref<1x43x16x128xbf16, #tpu.memory_space<vmem_shared>>
    %dma_start3A_5 = tpu.memref_squeeze %dma_start3A_4 : memref<1x43x16x128xbf16, #tpu.memory_space<vmem_shared>> -> memref<43x16x128xbf16, #tpu.memory_space<vmem_shared>>
    %dma_start3A_6 = arith.constant 0 : i32
    %dma_start3A_7 = arith.constant 0 : i32
    %dma_start3A_8 = tpu.memref_slice %arg2[%arg1, %add3A_1, %dma_start3A_6, %dma_start3A_7] : memref<16x4096x16x128xbf16, #tpu.memory_space<hbm>> -> memref<1x43x16x128xbf16, #tpu.memory_space<hbm>>
    %dma_start3A_9 = tpu.memref_squeeze %dma_start3A_8 : memref<1x43x16x128xbf16, #tpu.memory_space<hbm>> -> memref<43x16x128xbf16, #tpu.memory_space<hbm>>
    tpu.enqueue_dma source(%dma_start3A_9 : memref<43x16x128xbf16, #tpu.memory_space<hbm>>) target(%dma_start3A_5 : memref<43x16x128xbf16, #tpu.memory_space<vmem_shared>>) target_semaphore(%arg6 : memref<!tpu.dma_semaphore, #tpu.memory_space<semaphore_mem>>)
    %add3A_10 = arith.constant 43 : i32
    %add3A_11 = arith.addi %mul3A_0, %add3A_10 : i32
    %dma_start3A_12 = arith.constant 0 : i32
    %dma_start3A_13 = arith.constant 0 : i32
    %dma_start3A_14 = arith.constant 0 : i32
    %dma_start3A_15 = tpu.memref_slice %arg5[%arg1, %dma_start3A_12, %dma_start3A_13, %dma_start3A_14] : memref<16x43x16x128xbf16, #tpu.memory_space<vmem_shared>> -> memref<1x43x16x128xbf16, #tpu.memory_space<vmem_shared>>
    %dma_start3A_16 = tpu.memref_squeeze %dma_start3A_15 : memref<1x43x16x128xbf16, #tpu.memory_space<vmem_shared>> -> memref<43x16x128xbf16, #tpu.memory_space<vmem_shared>>
    %dma_start3A_17 = arith.constant 0 : i32
    %dma_start3A_18 = arith.constant 0 : i32
    %dma_start3A_19 = tpu.memref_slice %arg2[%arg1, %add3A_11, %dma_start3A_17, %dma_start3A_18] : memref<16x4096x16x128xbf16, #tpu.memory_space<hbm>> -> memref<1x43x16x128xbf16, #tpu.memory_space<hbm>>
    %dma_start3A_20 = tpu.memref_squeeze %dma_start3A_19 : memref<1x43x16x128xbf16, #tpu.memory_space<hbm>> -> memref<43x16x128xbf16, #tpu.memory_space<hbm>>
    tpu.enqueue_dma source(%dma_start3A_20 : memref<43x16x128xbf16, #tpu.memory_space<hbm>>) target(%dma_start3A_16 : memref<43x16x128xbf16, #tpu.memory_space<vmem_shared>>) target_semaphore(%arg7 : memref<!tpu.dma_semaphore, #tpu.memory_space<semaphore_mem>>)
    %dma_wait3A = arith.constant 0 : i32
    %dma_wait3A_21 = arith.constant 0 : i32
    %dma_wait3A_22 = arith.constant 0 : i32
    %dma_wait3A_23 = tpu.memref_slice %arg4[%arg1, %dma_wait3A, %dma_wait3A_21, %dma_wait3A_22] : memref<16x43x16x128xbf16, #tpu.memory_space<vmem_shared>> -> memref<1x43x16x128xbf16, #tpu.memory_space<vmem_shared>>
    %dma_wait3A_24 = tpu.memref_squeeze %dma_wait3A_23 : memref<1x43x16x128xbf16, #tpu.memory_space<vmem_shared>> -> memref<43x16x128xbf16, #tpu.memory_space<vmem_shared>>
    %dma_wait3A_25 = arith.constant 0 : i32
    %dma_wait3A_26 = arith.constant 0 : i32
    %dma_wait3A_27 = tpu.memref_slice %arg2[%arg1, %add3A_1, %dma_wait3A_25, %dma_wait3A_26] : memref<16x4096x16x128xbf16, #tpu.memory_space<hbm>> -> memref<1x43x16x128xbf16, #tpu.memory_space<hbm>>
    %dma_wait3A_28 = tpu.memref_squeeze %dma_wait3A_27 : memref<1x43x16x128xbf16, #tpu.memory_space<hbm>> -> memref<43x16x128xbf16, #tpu.memory_space<hbm>>
    tpu.wait_dma2 semaphore(%arg6 : memref<!tpu.dma_semaphore, #tpu.memory_space<semaphore_mem>>) src(%dma_wait3A_28 : memref<43x16x128xbf16, #tpu.memory_space<hbm>>) dst(%dma_wait3A_24 : memref<43x16x128xbf16, #tpu.memory_space<vmem_shared>>)
    %add3A_29 = arith.constant 0 : i32
    %add3A_30 = arith.addi %mul3A_0, %add3A_29 : i32
    %dma_start3A_31 = arith.constant 0 : i32
    %dma_start3A_32 = arith.constant 0 : i32
    %dma_start3A_33 = tpu.memref_slice %arg3[%arg1, %add3A_30, %dma_start3A_31, %dma_start3A_32] : memref<16x2064x16x128xbf16, #tpu.memory_space<hbm>> -> memref<1x43x16x128xbf16, #tpu.memory_space<hbm>>
    %dma_start3A_34 = tpu.memref_squeeze %dma_start3A_33 : memref<1x43x16x128xbf16, #tpu.memory_space<hbm>> -> memref<43x16x128xbf16, #tpu.memory_space<hbm>>
    %dma_start3A_35 = arith.constant 0 : i32
    %dma_start3A_36 = arith.constant 0 : i32
    %dma_start3A_37 = arith.constant 0 : i32
    %dma_start3A_38 = tpu.memref_slice %arg4[%arg1, %dma_start3A_35, %dma_start3A_36, %dma_start3A_37] : memref<16x43x16x128xbf16, #tpu.memory_space<vmem_shared>> -> memref<1x43x16x128xbf16, #tpu.memory_space<vmem_shared>>
    %dma_start3A_39 = tpu.memref_squeeze %dma_start3A_38 : memref<1x43x16x128xbf16, #tpu.memory_space<vmem_shared>> -> memref<43x16x128xbf16, #tpu.memory_space<vmem_shared>>
    tpu.enqueue_dma source(%dma_start3A_39 : memref<43x16x128xbf16, #tpu.memory_space<vmem_shared>>) target(%dma_start3A_34 : memref<43x16x128xbf16, #tpu.memory_space<hbm>>) target_semaphore(%arg8 : memref<!tpu.dma_semaphore, #tpu.memory_space<semaphore_mem>>)
    %dma_wait3A_40 = arith.constant 0 : i32
    %dma_wait3A_41 = arith.constant 0 : i32
    %dma_wait3A_42 = tpu.memref_slice %arg3[%arg1, %add3A_30, %dma_wait3A_40, %dma_wait3A_41] : memref<16x2064x16x128xbf16, #tpu.memory_space<hbm>> -> memref<1x43x16x128xbf16, #tpu.memory_space<hbm>>
    %dma_wait3A_43 = tpu.memref_squeeze %dma_wait3A_42 : memref<1x43x16x128xbf16, #tpu.memory_space<hbm>> -> memref<43x16x128xbf16, #tpu.memory_space<hbm>>
    %dma_wait3A_44 = arith.constant 0 : i32
    %dma_wait3A_45 = arith.constant 0 : i32
    %dma_wait3A_46 = arith.constant 0 : i32
    %dma_wait3A_47 = tpu.memref_slice %arg4[%arg1, %dma_wait3A_44, %dma_wait3A_45, %dma_wait3A_46] : memref<16x43x16x128xbf16, #tpu.memory_space<vmem_shared>> -> memref<1x43x16x128xbf16, #tpu.memory_space<vmem_shared>>
    %dma_wait3A_48 = tpu.memref_squeeze %dma_wait3A_47 : memref<1x43x16x128xbf16, #tpu.memory_space<vmem_shared>> -> memref<43x16x128xbf16, #tpu.memory_space<vmem_shared>>
    tpu.wait_dma2 semaphore(%arg8 : memref<!tpu.dma_semaphore, #tpu.memory_space<semaphore_mem>>) src(%dma_wait3A_48 : memref<43x16x128xbf16, #tpu.memory_space<vmem_shared>>) dst(%dma_wait3A_43 : memref<43x16x128xbf16, #tpu.memory_space<hbm>>)
    %add3A_49 = arith.constant 86 : i32
    %add3A_50 = arith.addi %mul3A_0, %add3A_49 : i32
    %dma_start3A_51 = arith.constant 0 : i32
    %dma_start3A_52 = arith.constant 0 : i32
    %dma_start3A_53 = arith.constant 0 : i32
    %dma_start3A_54 = tpu.memref_slice %arg4[%arg1, %dma_start3A_51, %dma_start3A_52, %dma_start3A_53] : memref<16x43x16x128xbf16, #tpu.memory_space<vmem_shared>> -> memref<1x43x16x128xbf16, #tpu.memory_space<vmem_shared>>
    %dma_start3A_55 = tpu.memref_squeeze %dma_start3A_54 : memref<1x43x16x128xbf16, #tpu.memory_space<vmem_shared>> -> memref<43x16x128xbf16, #tpu.memory_space<vmem_shared>>
    %dma_start3A_56 = arith.constant 0 : i32
    %dma_start3A_57 = arith.constant 0 : i32
    %dma_start3A_58 = tpu.memref_slice %arg2[%arg1, %add3A_50, %dma_start3A_56, %dma_start3A_57] : memref<16x4096x16x128xbf16, #tpu.memory_space<hbm>> -> memref<1x43x16x128xbf16, #tpu.memory_space<hbm>>
    %dma_start3A_59 = tpu.memref_squeeze %dma_start3A_58 : memref<1x43x16x128xbf16, #tpu.memory_space<hbm>> -> memref<43x16x128xbf16, #tpu.memory_space<hbm>>
    tpu.enqueue_dma source(%dma_start3A_59 : memref<43x16x128xbf16, #tpu.memory_space<hbm>>) target(%dma_start3A_55 : memref<43x16x128xbf16, #tpu.memory_space<vmem_shared>>) target_semaphore(%arg6 : memref<!tpu.dma_semaphore, #tpu.memory_space<semaphore_mem>>)
    %dma_wait3A_60 = arith.constant 0 : i32
    %dma_wait3A_61 = arith.constant 0 : i32
    %dma_wait3A_62 = arith.constant 0 : i32
    %dma_wait3A_63 = tpu.memref_slice %arg5[%arg1, %dma_wait3A_60, %dma_wait3A_61, %dma_wait3A_62] : memref<16x43x16x128xbf16, #tpu.memory_space<vmem_shared>> -> memref<1x43x16x128xbf16, #tpu.memory_space<vmem_shared>>
    %dma_wait3A_64 = tpu.memref_squeeze %dma_wait3A_63 : memref<1x43x16x128xbf16, #tpu.memory_space<vmem_shared>> -> memref<43x16x128xbf16, #tpu.memory_space<vmem_shared>>
    %dma_wait3A_65 = arith.constant 0 : i32
    %dma_wait3A_66 = arith.constant 0 : i32
    %dma_wait3A_67 = tpu.memref_slice %arg2[%arg1, %add3A_11, %dma_wait3A_65, %dma_wait3A_66] : memref<16x4096x16x128xbf16, #tpu.memory_space<hbm>> -> memref<1x43x16x128xbf16, #tpu.memory_space<hbm>>
    %dma_wait3A_68 = tpu.memref_squeeze %dma_wait3A_67 : memref<1x43x16x128xbf16, #tpu.memory_space<hbm>> -> memref<43x16x128xbf16, #tpu.memory_space<hbm>>
    tpu.wait_dma2 semaphore(%arg7 : memref<!tpu.dma_semaphore, #tpu.memory_space<semaphore_mem>>) src(%dma_wait3A_68 : memref<43x16x128xbf16, #tpu.memory_space<hbm>>) dst(%dma_wait3A_64 : memref<43x16x128xbf16, #tpu.memory_space<vmem_shared>>)
    %add3A_69 = arith.constant 43 : i32
    %add3A_70 = arith.addi %mul3A_0, %add3A_69 : i32
    %dma_start3A_71 = arith.constant 0 : i32
    %dma_start3A_72 = arith.constant 0 : i32
    %dma_start3A_73 = tpu.memref_slice %arg3[%arg1, %add3A_70, %dma_start3A_71, %dma_start3A_72] : memref<16x2064x16x128xbf16, #tpu.memory_space<hbm>> -> memref<1x43x16x128xbf16, #tpu.memory_space<hbm>>
    %dma_start3A_74 = tpu.memref_squeeze %dma_start3A_73 : memref<1x43x16x128xbf16, #tpu.memory_space<hbm>> -> memref<43x16x128xbf16, #tpu.memory_space<hbm>>
    %dma_start3A_75 = arith.constant 0 : i32
    %dma_start3A_76 = arith.constant 0 : i32
    %dma_start3A_77 = arith.constant 0 : i32
    %dma_start3A_78 = tpu.memref_slice %arg5[%arg1, %dma_start3A_75, %dma_start3A_76, %dma_start3A_77] : memref<16x43x16x128xbf16, #tpu.memory_space<vmem_shared>> -> memref<1x43x16x128xbf16, #tpu.memory_space<vmem_shared>>
    %dma_start3A_79 = tpu.memref_squeeze %dma_start3A_78 : memref<1x43x16x128xbf16, #tpu.memory_space<vmem_shared>> -> memref<43x16x128xbf16, #tpu.memory_space<vmem_shared>>
    tpu.enqueue_dma source(%dma_start3A_79 : memref<43x16x128xbf16, #tpu.memory_space<vmem_shared>>) target(%dma_start3A_74 : memref<43x16x128xbf16, #tpu.memory_space<hbm>>) target_semaphore(%arg9 : memref<!tpu.dma_semaphore, #tpu.memory_space<semaphore_mem>>)
    %dma_wait3A_80 = arith.constant 0 : i32
    %dma_wait3A_81 = arith.constant 0 : i32
    %dma_wait3A_82 = tpu.memref_slice %arg3[%arg1, %add3A_70, %dma_wait3A_80, %dma_wait3A_81] : memref<16x2064x16x128xbf16, #tpu.memory_space<hbm>> -> memref<1x43x16x128xbf16, #tpu.memory_space<hbm>>
    %dma_wait3A_83 = tpu.memref_squeeze %dma_wait3A_82 : memref<1x43x16x128xbf16, #tpu.memory_space<hbm>> -> memref<43x16x128xbf16, #tpu.memory_space<hbm>>
    %dma_wait3A_84 = arith.constant 0 : i32
    %dma_wait3A_85 = arith.constant 0 : i32
    %dma_wait3A_86 = arith.constant 0 : i32
    %dma_wait3A_87 = tpu.memref_slice %arg5[%arg1, %dma_wait3A_84, %dma_wait3A_85, %dma_wait3A_86] : memref<16x43x16x128xbf16, #tpu.memory_space<vmem_shared>> -> memref<1x43x16x128xbf16, #tpu.memory_space<vmem_shared>>
    %dma_wait3A_88 = tpu.memref_squeeze %dma_wait3A_87 : memref<1x43x16x128xbf16, #tpu.memory_space<vmem_shared>> -> memref<43x16x128xbf16, #tpu.memory_space<vmem_shared>>
    tpu.wait_dma2 semaphore(%arg9 : memref<!tpu.dma_semaphore, #tpu.memory_space<semaphore_mem>>) src(%dma_wait3A_88 : memref<43x16x128xbf16, #tpu.memory_space<vmem_shared>>) dst(%dma_wait3A_83 : memref<43x16x128xbf16, #tpu.memory_space<hbm>>)
    %add3A_89 = arith.constant 129 : i32
    %add3A_90 = arith.addi %mul3A_0, %add3A_89 : i32
    %dma_start3A_91 = arith.constant 0 : i32
    %dma_start3A_92 = arith.constant 0 : i32
    %dma_start3A_93 = arith.constant 0 : i32
    %dma_start3A_94 = tpu.memref_slice %arg5[%arg1, %dma_start3A_91, %dma_start3A_92, %dma_start3A_93] : memref<16x43x16x128xbf16, #tpu.memory_space<vmem_shared>> -> memref<1x43x16x128xbf16, #tpu.memory_space<vmem_shared>>
    %dma_start3A_95 = tpu.memref_squeeze %dma_start3A_94 : memref<1x43x16x128xbf16, #tpu.memory_space<vmem_shared>> -> memref<43x16x128xbf16, #tpu.memory_space<vmem_shared>>
    %dma_start3A_96 = arith.constant 0 : i32
    %dma_start3A_97 = arith.constant 0 : i32
    %dma_start3A_98 = tpu.memref_slice %arg2[%arg1, %add3A_90, %dma_start3A_96, %dma_start3A_97] : memref<16x4096x16x128xbf16, #tpu.memory_space<hbm>> -> memref<1x43x16x128xbf16, #tpu.memory_space<hbm>>
    %dma_start3A_99 = tpu.memref_squeeze %dma_start3A_98 : memref<1x43x16x128xbf16, #tpu.memory_space<hbm>> -> memref<43x16x128xbf16, #tpu.memory_space<hbm>>
    tpu.enqueue_dma source(%dma_start3A_99 : memref<43x16x128xbf16, #tpu.memory_space<hbm>>) target(%dma_start3A_95 : memref<43x16x128xbf16, #tpu.memory_space<vmem_shared>>) target_semaphore(%arg7 : memref<!tpu.dma_semaphore, #tpu.memory_space<semaphore_mem>>)
    %dma_wait3A_100 = arith.constant 0 : i32
    %dma_wait3A_101 = arith.constant 0 : i32
    %dma_wait3A_102 = arith.constant 0 : i32
    %dma_wait3A_103 = tpu.memref_slice %arg4[%arg1, %dma_wait3A_100, %dma_wait3A_101, %dma_wait3A_102] : memref<16x43x16x128xbf16, #tpu.memory_space<vmem_shared>> -> memref<1x43x16x128xbf16, #tpu.memory_space<vmem_shared>>
    %dma_wait3A_104 = tpu.memref_squeeze %dma_wait3A_103 : memref<1x43x16x128xbf16, #tpu.memory_space<vmem_shared>> -> memref<43x16x128xbf16, #tpu.memory_space<vmem_shared>>
    %dma_wait3A_105 = arith.constant 0 : i32
    %dma_wait3A_106 = arith.constant 0 : i32
    %dma_wait3A_107 = tpu.memref_slice %arg2[%arg1, %add3A_50, %dma_wait3A_105, %dma_wait3A_106] : memref<16x4096x16x128xbf16, #tpu.memory_space<hbm>> -> memref<1x43x16x128xbf16, #tpu.memory_space<hbm>>
    %dma_wait3A_108 = tpu.memref_squeeze %dma_wait3A_107 : memref<1x43x16x128xbf16, #tpu.memory_space<hbm>> -> memref<43x16x128xbf16, #tpu.memory_space<hbm>>
    tpu.wait_dma2 semaphore(%arg6 : memref<!tpu.dma_semaphore, #tpu.memory_space<semaphore_mem>>) src(%dma_wait3A_108 : memref<43x16x128xbf16, #tpu.memory_space<hbm>>) dst(%dma_wait3A_104 : memref<43x16x128xbf16, #tpu.memory_space<vmem_shared>>)
    %add3A_109 = arith.constant 86 : i32
    %add3A_110 = arith.addi %mul3A_0, %add3A_109 : i32
    %dma_start3A_111 = arith.constant 0 : i32
    %dma_start3A_112 = arith.constant 0 : i32
    %dma_start3A_113 = tpu.memref_slice %arg3[%arg1, %add3A_110, %dma_start3A_111, %dma_start3A_112] : memref<16x2064x16x128xbf16, #tpu.memory_space<hbm>> -> memref<1x43x16x128xbf16, #tpu.memory_space<hbm>>
    %dma_start3A_114 = tpu.memref_squeeze %dma_start3A_113 : memref<1x43x16x128xbf16, #tpu.memory_space<hbm>> -> memref<43x16x128xbf16, #tpu.memory_space<hbm>>
    %dma_start3A_115 = arith.constant 0 : i32
    %dma_start3A_116 = arith.constant 0 : i32
    %dma_start3A_117 = arith.constant 0 : i32
    %dma_start3A_118 = tpu.memref_slice %arg4[%arg1, %dma_start3A_115, %dma_start3A_116, %dma_start3A_117] : memref<16x43x16x128xbf16, #tpu.memory_space<vmem_shared>> -> memref<1x43x16x128xbf16, #tpu.memory_space<vmem_shared>>
    %dma_start3A_119 = tpu.memref_squeeze %dma_start3A_118 : memref<1x43x16x128xbf16, #tpu.memory_space<vmem_shared>> -> memref<43x16x128xbf16, #tpu.memory_space<vmem_shared>>
    tpu.enqueue_dma source(%dma_start3A_119 : memref<43x16x128xbf16, #tpu.memory_space<vmem_shared>>) target(%dma_start3A_114 : memref<43x16x128xbf16, #tpu.memory_space<hbm>>) target_semaphore(%arg8 : memref<!tpu.dma_semaphore, #tpu.memory_space<semaphore_mem>>)
    %dma_wait3A_120 = arith.constant 0 : i32
    %dma_wait3A_121 = arith.constant 0 : i32
    %dma_wait3A_122 = tpu.memref_slice %arg3[%arg1, %add3A_110, %dma_wait3A_120, %dma_wait3A_121] : memref<16x2064x16x128xbf16, #tpu.memory_space<hbm>> -> memref<1x43x16x128xbf16, #tpu.memory_space<hbm>>
    %dma_wait3A_123 = tpu.memref_squeeze %dma_wait3A_122 : memref<1x43x16x128xbf16, #tpu.memory_space<hbm>> -> memref<43x16x128xbf16, #tpu.memory_space<hbm>>
    %dma_wait3A_124 = arith.constant 0 : i32
    %dma_wait3A_125 = arith.constant 0 : i32
    %dma_wait3A_126 = arith.constant 0 : i32
    %dma_wait3A_127 = tpu.memref_slice %arg4[%arg1, %dma_wait3A_124, %dma_wait3A_125, %dma_wait3A_126] : memref<16x43x16x128xbf16, #tpu.memory_space<vmem_shared>> -> memref<1x43x16x128xbf16, #tpu.memory_space<vmem_shared>>
    %dma_wait3A_128 = tpu.memref_squeeze %dma_wait3A_127 : memref<1x43x16x128xbf16, #tpu.memory_space<vmem_shared>> -> memref<43x16x128xbf16, #tpu.memory_space<vmem_shared>>
    tpu.wait_dma2 semaphore(%arg8 : memref<!tpu.dma_semaphore, #tpu.memory_space<semaphore_mem>>) src(%dma_wait3A_128 : memref<43x16x128xbf16, #tpu.memory_space<vmem_shared>>) dst(%dma_wait3A_123 : memref<43x16x128xbf16, #tpu.memory_space<hbm>>)
    %add3A_129 = arith.constant 172 : i32
    %add3A_130 = arith.addi %mul3A_0, %add3A_129 : i32
    %dma_start3A_131 = arith.constant 0 : i32
    %dma_start3A_132 = arith.constant 0 : i32
    %dma_start3A_133 = arith.constant 0 : i32
    %dma_start3A_134 = tpu.memref_slice %arg4[%arg1, %dma_start3A_131, %dma_start3A_132, %dma_start3A_133] : memref<16x43x16x128xbf16, #tpu.memory_space<vmem_shared>> -> memref<1x43x16x128xbf16, #tpu.memory_space<vmem_shared>>
    %dma_start3A_135 = tpu.memref_squeeze %dma_start3A_134 : memref<1x43x16x128xbf16, #tpu.memory_space<vmem_shared>> -> memref<43x16x128xbf16, #tpu.memory_space<vmem_shared>>
    %dma_start3A_136 = arith.constant 0 : i32
    %dma_start3A_137 = arith.constant 0 : i32
    %dma_start3A_138 = tpu.memref_slice %arg2[%arg1, %add3A_130, %dma_start3A_136, %dma_start3A_137] : memref<16x4096x16x128xbf16, #tpu.memory_space<hbm>> -> memref<1x43x16x128xbf16, #tpu.memory_space<hbm>>
    %dma_start3A_139 = tpu.memref_squeeze %dma_start3A_138 : memref<1x43x16x128xbf16, #tpu.memory_space<hbm>> -> memref<43x16x128xbf16, #tpu.memory_space<hbm>>
    tpu.enqueue_dma source(%dma_start3A_139 : memref<43x16x128xbf16, #tpu.memory_space<hbm>>) target(%dma_start3A_135 : memref<43x16x128xbf16, #tpu.memory_space<vmem_shared>>) target_semaphore(%arg6 : memref<!tpu.dma_semaphore, #tpu.memory_space<semaphore_mem>>)
    %dma_wait3A_140 = arith.constant 0 : i32
    %dma_wait3A_141 = arith.constant 0 : i32
    %dma_wait3A_142 = arith.constant 0 : i32
    %dma_wait3A_143 = tpu.memref_slice %arg5[%arg1, %dma_wait3A_140, %dma_wait3A_141, %dma_wait3A_142] : memref<16x43x16x128xbf16, #tpu.memory_space<vmem_shared>> -> memref<1x43x16x128xbf16, #tpu.memory_space<vmem_shared>>
    %dma_wait3A_144 = tpu.memref_squeeze %dma_wait3A_143 : memref<1x43x16x128xbf16, #tpu.memory_space<vmem_shared>> -> memref<43x16x128xbf16, #tpu.memory_space<vmem_shared>>
    %dma_wait3A_145 = arith.constant 0 : i32
    %dma_wait3A_146 = arith.constant 0 : i32
    %dma_wait3A_147 = tpu.memref_slice %arg2[%arg1, %add3A_90, %dma_wait3A_145, %dma_wait3A_146] : memref<16x4096x16x128xbf16, #tpu.memory_space<hbm>> -> memref<1x43x16x128xbf16, #tpu.memory_space<hbm>>
    %dma_wait3A_148 = tpu.memref_squeeze %dma_wait3A_147 : memref<1x43x16x128xbf16, #tpu.memory_space<hbm>> -> memref<43x16x128xbf16, #tpu.memory_space<hbm>>
    tpu.wait_dma2 semaphore(%arg7 : memref<!tpu.dma_semaphore, #tpu.memory_space<semaphore_mem>>) src(%dma_wait3A_148 : memref<43x16x128xbf16, #tpu.memory_space<hbm>>) dst(%dma_wait3A_144 : memref<43x16x128xbf16, #tpu.memory_space<vmem_shared>>)
    %add3A_149 = arith.constant 129 : i32
    %add3A_150 = arith.addi %mul3A_0, %add3A_149 : i32
    %dma_start3A_151 = arith.constant 0 : i32
    %dma_start3A_152 = arith.constant 0 : i32
    %dma_start3A_153 = tpu.memref_slice %arg3[%arg1, %add3A_150, %dma_start3A_151, %dma_start3A_152] : memref<16x2064x16x128xbf16, #tpu.memory_space<hbm>> -> memref<1x43x16x128xbf16, #tpu.memory_space<hbm>>
    %dma_start3A_154 = tpu.memref_squeeze %dma_start3A_153 : memref<1x43x16x128xbf16, #tpu.memory_space<hbm>> -> memref<43x16x128xbf16, #tpu.memory_space<hbm>>
    %dma_start3A_155 = arith.constant 0 : i32
    %dma_start3A_156 = arith.constant 0 : i32
    %dma_start3A_157 = arith.constant 0 : i32
    %dma_start3A_158 = tpu.memref_slice %arg5[%arg1, %dma_start3A_155, %dma_start3A_156, %dma_start3A_157] : memref<16x43x16x128xbf16, #tpu.memory_space<vmem_shared>> -> memref<1x43x16x128xbf16, #tpu.memory_space<vmem_shared>>
    %dma_start3A_159 = tpu.memref_squeeze %dma_start3A_158 : memref<1x43x16x128xbf16, #tpu.memory_space<vmem_shared>> -> memref<43x16x128xbf16, #tpu.memory_space<vmem_shared>>
    tpu.enqueue_dma source(%dma_start3A_159 : memref<43x16x128xbf16, #tpu.memory_space<vmem_shared>>) target(%dma_start3A_154 : memref<43x16x128xbf16, #tpu.memory_space<hbm>>) target_semaphore(%arg9 : memref<!tpu.dma_semaphore, #tpu.memory_space<semaphore_mem>>)
    %dma_wait3A_160 = arith.constant 0 : i32
    %dma_wait3A_161 = arith.constant 0 : i32
    %dma_wait3A_162 = tpu.memref_slice %arg3[%arg1, %add3A_150, %dma_wait3A_160, %dma_wait3A_161] : memref<16x2064x16x128xbf16, #tpu.memory_space<hbm>> -> memref<1x43x16x128xbf16, #tpu.memory_space<hbm>>
    %dma_wait3A_163 = tpu.memref_squeeze %dma_wait3A_162 : memref<1x43x16x128xbf16, #tpu.memory_space<hbm>> -> memref<43x16x128xbf16, #tpu.memory_space<hbm>>
    %dma_wait3A_164 = arith.constant 0 : i32
    %dma_wait3A_165 = arith.constant 0 : i32
    %dma_wait3A_166 = arith.constant 0 : i32
    %dma_wait3A_167 = tpu.memref_slice %arg5[%arg1, %dma_wait3A_164, %dma_wait3A_165, %dma_wait3A_166] : memref<16x43x16x128xbf16, #tpu.memory_space<vmem_shared>> -> memref<1x43x16x128xbf16, #tpu.memory_space<vmem_shared>>
    %dma_wait3A_168 = tpu.memref_squeeze %dma_wait3A_167 : memref<1x43x16x128xbf16, #tpu.memory_space<vmem_shared>> -> memref<43x16x128xbf16, #tpu.memory_space<vmem_shared>>
    tpu.wait_dma2 semaphore(%arg9 : memref<!tpu.dma_semaphore, #tpu.memory_space<semaphore_mem>>) src(%dma_wait3A_168 : memref<43x16x128xbf16, #tpu.memory_space<vmem_shared>>) dst(%dma_wait3A_163 : memref<43x16x128xbf16, #tpu.memory_space<hbm>>)
    %add3A_169 = arith.constant 215 : i32
    %add3A_170 = arith.addi %mul3A_0, %add3A_169 : i32
    %dma_start3A_171 = arith.constant 0 : i32
    %dma_start3A_172 = arith.constant 0 : i32
    %dma_start3A_173 = arith.constant 0 : i32
    %dma_start3A_174 = tpu.memref_slice %arg5[%arg1, %dma_start3A_171, %dma_start3A_172, %dma_start3A_173] : memref<16x43x16x128xbf16, #tpu.memory_space<vmem_shared>> -> memref<1x43x16x128xbf16, #tpu.memory_space<vmem_shared>>
    %dma_start3A_175 = tpu.memref_squeeze %dma_start3A_174 : memref<1x43x16x128xbf16, #tpu.memory_space<vmem_shared>> -> memref<43x16x128xbf16, #tpu.memory_space<vmem_shared>>
    %dma_start3A_176 = arith.constant 0 : i32
    %dma_start3A_177 = arith.constant 0 : i32
    %dma_start3A_178 = tpu.memref_slice %arg2[%arg1, %add3A_170, %dma_start3A_176, %dma_start3A_177] : memref<16x4096x16x128xbf16, #tpu.memory_space<hbm>> -> memref<1x43x16x128xbf16, #tpu.memory_space<hbm>>
    %dma_start3A_179 = tpu.memref_squeeze %dma_start3A_178 : memref<1x43x16x128xbf16, #tpu.memory_space<hbm>> -> memref<43x16x128xbf16, #tpu.memory_space<hbm>>
    tpu.enqueue_dma source(%dma_start3A_179 : memref<43x16x128xbf16, #tpu.memory_space<hbm>>) target(%dma_start3A_175 : memref<43x16x128xbf16, #tpu.memory_space<vmem_shared>>) target_semaphore(%arg7 : memref<!tpu.dma_semaphore, #tpu.memory_space<semaphore_mem>>)
    %dma_wait3A_180 = arith.constant 0 : i32
    %dma_wait3A_181 = arith.constant 0 : i32
    %dma_wait3A_182 = arith.constant 0 : i32
    %dma_wait3A_183 = tpu.memref_slice %arg4[%arg1, %dma_wait3A_180, %dma_wait3A_181, %dma_wait3A_182] : memref<16x43x16x128xbf16, #tpu.memory_space<vmem_shared>> -> memref<1x43x16x128xbf16, #tpu.memory_space<vmem_shared>>
    %dma_wait3A_184 = tpu.memref_squeeze %dma_wait3A_183 : memref<1x43x16x128xbf16, #tpu.memory_space<vmem_shared>> -> memref<43x16x128xbf16, #tpu.memory_space<vmem_shared>>
    %dma_wait3A_185 = arith.constant 0 : i32
    %dma_wait3A_186 = arith.constant 0 : i32
    %dma_wait3A_187 = tpu.memref_slice %arg2[%arg1, %add3A_130, %dma_wait3A_185, %dma_wait3A_186] : memref<16x4096x16x128xbf16, #tpu.memory_space<hbm>> -> memref<1x43x16x128xbf16, #tpu.memory_space<hbm>>
    %dma_wait3A_188 = tpu.memref_squeeze %dma_wait3A_187 : memref<1x43x16x128xbf16, #tpu.memory_space<hbm>> -> memref<43x16x128xbf16, #tpu.memory_space<hbm>>
    tpu.wait_dma2 semaphore(%arg6 : memref<!tpu.dma_semaphore, #tpu.memory_space<semaphore_mem>>) src(%dma_wait3A_188 : memref<43x16x128xbf16, #tpu.memory_space<hbm>>) dst(%dma_wait3A_184 : memref<43x16x128xbf16, #tpu.memory_space<vmem_shared>>)
    %add3A_189 = arith.constant 172 : i32
    %add3A_190 = arith.addi %mul3A_0, %add3A_189 : i32
    %dma_start3A_191 = arith.constant 0 : i32
    %dma_start3A_192 = arith.constant 0 : i32
    %dma_start3A_193 = tpu.memref_slice %arg3[%arg1, %add3A_190, %dma_start3A_191, %dma_start3A_192] : memref<16x2064x16x128xbf16, #tpu.memory_space<hbm>> -> memref<1x43x16x128xbf16, #tpu.memory_space<hbm>>
    %dma_start3A_194 = tpu.memref_squeeze %dma_start3A_193 : memref<1x43x16x128xbf16, #tpu.memory_space<hbm>> -> memref<43x16x128xbf16, #tpu.memory_space<hbm>>
    %dma_start3A_195 = arith.constant 0 : i32
    %dma_start3A_196 = arith.constant 0 : i32
    %dma_start3A_197 = arith.constant 0 : i32
    %dma_start3A_198 = tpu.memref_slice %arg4[%arg1, %dma_start3A_195, %dma_start3A_196, %dma_start3A_197] : memref<16x43x16x128xbf16, #tpu.memory_space<vmem_shared>> -> memref<1x43x16x128xbf16, #tpu.memory_space<vmem_shared>>
    %dma_start3A_199 = tpu.memref_squeeze %dma_start3A_198 : memref<1x43x16x128xbf16, #tpu.memory_space<vmem_shared>> -> memref<43x16x128xbf16, #tpu.memory_space<vmem_shared>>
    tpu.enqueue_dma source(%dma_start3A_199 : memref<43x16x128xbf16, #tpu.memory_space<vmem_shared>>) target(%dma_start3A_194 : memref<43x16x128xbf16, #tpu.memory_space<hbm>>) target_semaphore(%arg8 : memref<!tpu.dma_semaphore, #tpu.memory_space<semaphore_mem>>)
    %dma_wait3A_200 = arith.constant 0 : i32
    %dma_wait3A_201 = arith.constant 0 : i32
    %dma_wait3A_202 = tpu.memref_slice %arg3[%arg1, %add3A_190, %dma_wait3A_200, %dma_wait3A_201] : memref<16x2064x16x128xbf16, #tpu.memory_space<hbm>> -> memref<1x43x16x128xbf16, #tpu.memory_space<hbm>>
    %dma_wait3A_203 = tpu.memref_squeeze %dma_wait3A_202 : memref<1x43x16x128xbf16, #tpu.memory_space<hbm>> -> memref<43x16x128xbf16, #tpu.memory_space<hbm>>
    %dma_wait3A_204 = arith.constant 0 : i32
    %dma_wait3A_205 = arith.constant 0 : i32
    %dma_wait3A_206 = arith.constant 0 : i32
    %dma_wait3A_207 = tpu.memref_slice %arg4[%arg1, %dma_wait3A_204, %dma_wait3A_205, %dma_wait3A_206] : memref<16x43x16x128xbf16, #tpu.memory_space<vmem_shared>> -> memref<1x43x16x128xbf16, #tpu.memory_space<vmem_shared>>
    %dma_wait3A_208 = tpu.memref_squeeze %dma_wait3A_207 : memref<1x43x16x128xbf16, #tpu.memory_space<vmem_shared>> -> memref<43x16x128xbf16, #tpu.memory_space<vmem_shared>>
    tpu.wait_dma2 semaphore(%arg8 : memref<!tpu.dma_semaphore, #tpu.memory_space<semaphore_mem>>) src(%dma_wait3A_208 : memref<43x16x128xbf16, #tpu.memory_space<vmem_shared>>) dst(%dma_wait3A_203 : memref<43x16x128xbf16, #tpu.memory_space<hbm>>)
    %add3A_209 = arith.constant 258 : i32
    %add3A_210 = arith.addi %mul3A_0, %add3A_209 : i32
    %dma_start3A_211 = arith.constant 0 : i32
    %dma_start3A_212 = arith.constant 0 : i32
    %dma_start3A_213 = arith.constant 0 : i32
    %dma_start3A_214 = tpu.memref_slice %arg4[%arg1, %dma_start3A_211, %dma_start3A_212, %dma_start3A_213] : memref<16x43x16x128xbf16, #tpu.memory_space<vmem_shared>> -> memref<1x43x16x128xbf16, #tpu.memory_space<vmem_shared>>
    %dma_start3A_215 = tpu.memref_squeeze %dma_start3A_214 : memref<1x43x16x128xbf16, #tpu.memory_space<vmem_shared>> -> memref<43x16x128xbf16, #tpu.memory_space<vmem_shared>>
    %dma_start3A_216 = arith.constant 0 : i32
    %dma_start3A_217 = arith.constant 0 : i32
    %dma_start3A_218 = tpu.memref_slice %arg2[%arg1, %add3A_210, %dma_start3A_216, %dma_start3A_217] : memref<16x4096x16x128xbf16, #tpu.memory_space<hbm>> -> memref<1x43x16x128xbf16, #tpu.memory_space<hbm>>
    %dma_start3A_219 = tpu.memref_squeeze %dma_start3A_218 : memref<1x43x16x128xbf16, #tpu.memory_space<hbm>> -> memref<43x16x128xbf16, #tpu.memory_space<hbm>>
    tpu.enqueue_dma source(%dma_start3A_219 : memref<43x16x128xbf16, #tpu.memory_space<hbm>>) target(%dma_start3A_215 : memref<43x16x128xbf16, #tpu.memory_space<vmem_shared>>) target_semaphore(%arg6 : memref<!tpu.dma_semaphore, #tpu.memory_space<semaphore_mem>>)
    %dma_wait3A_220 = arith.constant 0 : i32
    %dma_wait3A_221 = arith.constant 0 : i32
    %dma_wait3A_222 = arith.constant 0 : i32
    %dma_wait3A_223 = tpu.memref_slice %arg5[%arg1, %dma_wait3A_220, %dma_wait3A_221, %dma_wait3A_222] : memref<16x43x16x128xbf16, #tpu.memory_space<vmem_shared>> -> memref<1x43x16x128xbf16, #tpu.memory_space<vmem_shared>>
    %dma_wait3A_224 = tpu.memref_squeeze %dma_wait3A_223 : memref<1x43x16x128xbf16, #tpu.memory_space<vmem_shared>> -> memref<43x16x128xbf16, #tpu.memory_space<vmem_shared>>
    %dma_wait3A_225 = arith.constant 0 : i32
    %dma_wait3A_226 = arith.constant 0 : i32
    %dma_wait3A_227 = tpu.memref_slice %arg2[%arg1, %add3A_170, %dma_wait3A_225, %dma_wait3A_226] : memref<16x4096x16x128xbf16, #tpu.memory_space<hbm>> -> memref<1x43x16x128xbf16, #tpu.memory_space<hbm>>
    %dma_wait3A_228 = tpu.memref_squeeze %dma_wait3A_227 : memref<1x43x16x128xbf16, #tpu.memory_space<hbm>> -> memref<43x16x128xbf16, #tpu.memory_space<hbm>>
    tpu.wait_dma2 semaphore(%arg7 : memref<!tpu.dma_semaphore, #tpu.memory_space<semaphore_mem>>) src(%dma_wait3A_228 : memref<43x16x128xbf16, #tpu.memory_space<hbm>>) dst(%dma_wait3A_224 : memref<43x16x128xbf16, #tpu.memory_space<vmem_shared>>)
    %add3A_229 = arith.constant 215 : i32
    %add3A_230 = arith.addi %mul3A_0, %add3A_229 : i32
    %dma_start3A_231 = arith.constant 0 : i32
    %dma_start3A_232 = arith.constant 0 : i32
    %dma_start3A_233 = tpu.memref_slice %arg3[%arg1, %add3A_230, %dma_start3A_231, %dma_start3A_232] : memref<16x2064x16x128xbf16, #tpu.memory_space<hbm>> -> memref<1x43x16x128xbf16, #tpu.memory_space<hbm>>
    %dma_start3A_234 = tpu.memref_squeeze %dma_start3A_233 : memref<1x43x16x128xbf16, #tpu.memory_space<hbm>> -> memref<43x16x128xbf16, #tpu.memory_space<hbm>>
    %dma_start3A_235 = arith.constant 0 : i32
    %dma_start3A_236 = arith.constant 0 : i32
    %dma_start3A_237 = arith.constant 0 : i32
    %dma_start3A_238 = tpu.memref_slice %arg5[%arg1, %dma_start3A_235, %dma_start3A_236, %dma_start3A_237] : memref<16x43x16x128xbf16, #tpu.memory_space<vmem_shared>> -> memref<1x43x16x128xbf16, #tpu.memory_space<vmem_shared>>
    %dma_start3A_239 = tpu.memref_squeeze %dma_start3A_238 : memref<1x43x16x128xbf16, #tpu.memory_space<vmem_shared>> -> memref<43x16x128xbf16, #tpu.memory_space<vmem_shared>>
    tpu.enqueue_dma source(%dma_start3A_239 : memref<43x16x128xbf16, #tpu.memory_space<vmem_shared>>) target(%dma_start3A_234 : memref<43x16x128xbf16, #tpu.memory_space<hbm>>) target_semaphore(%arg9 : memref<!tpu.dma_semaphore, #tpu.memory_space<semaphore_mem>>)
    %dma_wait3A_240 = arith.constant 0 : i32
    %dma_wait3A_241 = arith.constant 0 : i32
    %dma_wait3A_242 = tpu.memref_slice %arg3[%arg1, %add3A_230, %dma_wait3A_240, %dma_wait3A_241] : memref<16x2064x16x128xbf16, #tpu.memory_space<hbm>> -> memref<1x43x16x128xbf16, #tpu.memory_space<hbm>>
    %dma_wait3A_243 = tpu.memref_squeeze %dma_wait3A_242 : memref<1x43x16x128xbf16, #tpu.memory_space<hbm>> -> memref<43x16x128xbf16, #tpu.memory_space<hbm>>
    %dma_wait3A_244 = arith.constant 0 : i32
    %dma_wait3A_245 = arith.constant 0 : i32
    %dma_wait3A_246 = arith.constant 0 : i32
    %dma_wait3A_247 = tpu.memref_slice %arg5[%arg1, %dma_wait3A_244, %dma_wait3A_245, %dma_wait3A_246] : memref<16x43x16x128xbf16, #tpu.memory_space<vmem_shared>> -> memref<1x43x16x128xbf16, #tpu.memory_space<vmem_shared>>
    %dma_wait3A_248 = tpu.memref_squeeze %dma_wait3A_247 : memref<1x43x16x128xbf16, #tpu.memory_space<vmem_shared>> -> memref<43x16x128xbf16, #tpu.memory_space<vmem_shared>>
    tpu.wait_dma2 semaphore(%arg9 : memref<!tpu.dma_semaphore, #tpu.memory_space<semaphore_mem>>) src(%dma_wait3A_248 : memref<43x16x128xbf16, #tpu.memory_space<vmem_shared>>) dst(%dma_wait3A_243 : memref<43x16x128xbf16, #tpu.memory_space<hbm>>)
    %add3A_249 = arith.constant 301 : i32
    %add3A_250 = arith.addi %mul3A_0, %add3A_249 : i32
    %dma_start3A_251 = arith.constant 0 : i32
    %dma_start3A_252 = arith.constant 0 : i32
    %dma_start3A_253 = arith.constant 0 : i32
    %dma_start3A_254 = tpu.memref_slice %arg5[%arg1, %dma_start3A_251, %dma_start3A_252, %dma_start3A_253] : memref<16x43x16x128xbf16, #tpu.memory_space<vmem_shared>> -> memref<1x43x16x128xbf16, #tpu.memory_space<vmem_shared>>
    %dma_start3A_255 = tpu.memref_squeeze %dma_start3A_254 : memref<1x43x16x128xbf16, #tpu.memory_space<vmem_shared>> -> memref<43x16x128xbf16, #tpu.memory_space<vmem_shared>>
    %dma_start3A_256 = arith.constant 0 : i32
    %dma_start3A_257 = arith.constant 0 : i32
    %dma_start3A_258 = tpu.memref_slice %arg2[%arg1, %add3A_250, %dma_start3A_256, %dma_start3A_257] : memref<16x4096x16x128xbf16, #tpu.memory_space<hbm>> -> memref<1x43x16x128xbf16, #tpu.memory_space<hbm>>
    %dma_start3A_259 = tpu.memref_squeeze %dma_start3A_258 : memref<1x43x16x128xbf16, #tpu.memory_space<hbm>> -> memref<43x16x128xbf16, #tpu.memory_space<hbm>>
    tpu.enqueue_dma source(%dma_start3A_259 : memref<43x16x128xbf16, #tpu.memory_space<hbm>>) target(%dma_start3A_255 : memref<43x16x128xbf16, #tpu.memory_space<vmem_shared>>) target_semaphore(%arg7 : memref<!tpu.dma_semaphore, #tpu.memory_space<semaphore_mem>>)
    %dma_wait3A_260 = arith.constant 0 : i32
    %dma_wait3A_261 = arith.constant 0 : i32
    %dma_wait3A_262 = arith.constant 0 : i32
    %dma_wait3A_263 = tpu.memref_slice %arg4[%arg1, %dma_wait3A_260, %dma_wait3A_261, %dma_wait3A_262] : memref<16x43x16x128xbf16, #tpu.memory_space<vmem_shared>> -> memref<1x43x16x128xbf16, #tpu.memory_space<vmem_shared>>
    %dma_wait3A_264 = tpu.memref_squeeze %dma_wait3A_263 : memref<1x43x16x128xbf16, #tpu.memory_space<vmem_shared>> -> memref<43x16x128xbf16, #tpu.memory_space<vmem_shared>>
    %dma_wait3A_265 = arith.constant 0 : i32
    %dma_wait3A_266 = arith.constant 0 : i32
    %dma_wait3A_267 = tpu.memref_slice %arg2[%arg1, %add3A_210, %dma_wait3A_265, %dma_wait3A_266] : memref<16x4096x16x128xbf16, #tpu.memory_space<hbm>> -> memref<1x43x16x128xbf16, #tpu.memory_space<hbm>>
    %dma_wait3A_268 = tpu.memref_squeeze %dma_wait3A_267 : memref<1x43x16x128xbf16, #tpu.memory_space<hbm>> -> memref<43x16x128xbf16, #tpu.memory_space<hbm>>
    tpu.wait_dma2 semaphore(%arg6 : memref<!tpu.dma_semaphore, #tpu.memory_space<semaphore_mem>>) src(%dma_wait3A_268 : memref<43x16x128xbf16, #tpu.memory_space<hbm>>) dst(%dma_wait3A_264 : memref<43x16x128xbf16, #tpu.memory_space<vmem_shared>>)
    %add3A_269 = arith.constant 258 : i32
    %add3A_270 = arith.addi %mul3A_0, %add3A_269 : i32
    %dma_start3A_271 = arith.constant 0 : i32
    %dma_start3A_272 = arith.constant 0 : i32
    %dma_start3A_273 = tpu.memref_slice %arg3[%arg1, %add3A_270, %dma_start3A_271, %dma_start3A_272] : memref<16x2064x16x128xbf16, #tpu.memory_space<hbm>> -> memref<1x43x16x128xbf16, #tpu.memory_space<hbm>>
    %dma_start3A_274 = tpu.memref_squeeze %dma_start3A_273 : memref<1x43x16x128xbf16, #tpu.memory_space<hbm>> -> memref<43x16x128xbf16, #tpu.memory_space<hbm>>
    %dma_start3A_275 = arith.constant 0 : i32
    %dma_start3A_276 = arith.constant 0 : i32
    %dma_start3A_277 = arith.constant 0 : i32
    %dma_start3A_278 = tpu.memref_slice %arg4[%arg1, %dma_start3A_275, %dma_start3A_276, %dma_start3A_277] : memref<16x43x16x128xbf16, #tpu.memory_space<vmem_shared>> -> memref<1x43x16x128xbf16, #tpu.memory_space<vmem_shared>>
    %dma_start3A_279 = tpu.memref_squeeze %dma_start3A_278 : memref<1x43x16x128xbf16, #tpu.memory_space<vmem_shared>> -> memref<43x16x128xbf16, #tpu.memory_space<vmem_shared>>
    tpu.enqueue_dma source(%dma_start3A_279 : memref<43x16x128xbf16, #tpu.memory_space<vmem_shared>>) target(%dma_start3A_274 : memref<43x16x128xbf16, #tpu.memory_space<hbm>>) target_semaphore(%arg8 : memref<!tpu.dma_semaphore, #tpu.memory_space<semaphore_mem>>)
    %dma_wait3A_280 = arith.constant 0 : i32
    %dma_wait3A_281 = arith.constant 0 : i32
    %dma_wait3A_282 = tpu.memref_slice %arg3[%arg1, %add3A_270, %dma_wait3A_280, %dma_wait3A_281] : memref<16x2064x16x128xbf16, #tpu.memory_space<hbm>> -> memref<1x43x16x128xbf16, #tpu.memory_space<hbm>>
    %dma_wait3A_283 = tpu.memref_squeeze %dma_wait3A_282 : memref<1x43x16x128xbf16, #tpu.memory_space<hbm>> -> memref<43x16x128xbf16, #tpu.memory_space<hbm>>
    %dma_wait3A_284 = arith.constant 0 : i32
    %dma_wait3A_285 = arith.constant 0 : i32
    %dma_wait3A_286 = arith.constant 0 : i32
    %dma_wait3A_287 = tpu.memref_slice %arg4[%arg1, %dma_wait3A_284, %dma_wait3A_285, %dma_wait3A_286] : memref<16x43x16x128xbf16, #tpu.memory_space<vmem_shared>> -> memref<1x43x16x128xbf16, #tpu.memory_space<vmem_shared>>
    %dma_wait3A_288 = tpu.memref_squeeze %dma_wait3A_287 : memref<1x43x16x128xbf16, #tpu.memory_space<vmem_shared>> -> memref<43x16x128xbf16, #tpu.memory_space<vmem_shared>>
    tpu.wait_dma2 semaphore(%arg8 : memref<!tpu.dma_semaphore, #tpu.memory_space<semaphore_mem>>) src(%dma_wait3A_288 : memref<43x16x128xbf16, #tpu.memory_space<vmem_shared>>) dst(%dma_wait3A_283 : memref<43x16x128xbf16, #tpu.memory_space<hbm>>)
    %add3A_289 = arith.constant 344 : i32
    %add3A_290 = arith.addi %mul3A_0, %add3A_289 : i32
    %dma_start3A_291 = arith.constant 0 : i32
    %dma_start3A_292 = arith.constant 0 : i32
    %dma_start3A_293 = arith.constant 0 : i32
    %dma_start3A_294 = tpu.memref_slice %arg4[%arg1, %dma_start3A_291, %dma_start3A_292, %dma_start3A_293] : memref<16x43x16x128xbf16, #tpu.memory_space<vmem_shared>> -> memref<1x43x16x128xbf16, #tpu.memory_space<vmem_shared>>
    %dma_start3A_295 = tpu.memref_squeeze %dma_start3A_294 : memref<1x43x16x128xbf16, #tpu.memory_space<vmem_shared>> -> memref<43x16x128xbf16, #tpu.memory_space<vmem_shared>>
    %dma_start3A_296 = arith.constant 0 : i32
    %dma_start3A_297 = arith.constant 0 : i32
    %dma_start3A_298 = tpu.memref_slice %arg2[%arg1, %add3A_290, %dma_start3A_296, %dma_start3A_297] : memref<16x4096x16x128xbf16, #tpu.memory_space<hbm>> -> memref<1x43x16x128xbf16, #tpu.memory_space<hbm>>
    %dma_start3A_299 = tpu.memref_squeeze %dma_start3A_298 : memref<1x43x16x128xbf16, #tpu.memory_space<hbm>> -> memref<43x16x128xbf16, #tpu.memory_space<hbm>>
    tpu.enqueue_dma source(%dma_start3A_299 : memref<43x16x128xbf16, #tpu.memory_space<hbm>>) target(%dma_start3A_295 : memref<43x16x128xbf16, #tpu.memory_space<vmem_shared>>) target_semaphore(%arg6 : memref<!tpu.dma_semaphore, #tpu.memory_space<semaphore_mem>>)
    %dma_wait3A_300 = arith.constant 0 : i32
    %dma_wait3A_301 = arith.constant 0 : i32
    %dma_wait3A_302 = arith.constant 0 : i32
    %dma_wait3A_303 = tpu.memref_slice %arg5[%arg1, %dma_wait3A_300, %dma_wait3A_301, %dma_wait3A_302] : memref<16x43x16x128xbf16, #tpu.memory_space<vmem_shared>> -> memref<1x43x16x128xbf16, #tpu.memory_space<vmem_shared>>
    %dma_wait3A_304 = tpu.memref_squeeze %dma_wait3A_303 : memref<1x43x16x128xbf16, #tpu.memory_space<vmem_shared>> -> memref<43x16x128xbf16, #tpu.memory_space<vmem_shared>>
    %dma_wait3A_305 = arith.constant 0 : i32
    %dma_wait3A_306 = arith.constant 0 : i32
    %dma_wait3A_307 = tpu.memref_slice %arg2[%arg1, %add3A_250, %dma_wait3A_305, %dma_wait3A_306] : memref<16x4096x16x128xbf16, #tpu.memory_space<hbm>> -> memref<1x43x16x128xbf16, #tpu.memory_space<hbm>>
    %dma_wait3A_308 = tpu.memref_squeeze %dma_wait3A_307 : memref<1x43x16x128xbf16, #tpu.memory_space<hbm>> -> memref<43x16x128xbf16, #tpu.memory_space<hbm>>
    tpu.wait_dma2 semaphore(%arg7 : memref<!tpu.dma_semaphore, #tpu.memory_space<semaphore_mem>>) src(%dma_wait3A_308 : memref<43x16x128xbf16, #tpu.memory_space<hbm>>) dst(%dma_wait3A_304 : memref<43x16x128xbf16, #tpu.memory_space<vmem_shared>>)
    %add3A_309 = arith.constant 301 : i32
    %add3A_310 = arith.addi %mul3A_0, %add3A_309 : i32
    %dma_start3A_311 = arith.constant 0 : i32
    %dma_start3A_312 = arith.constant 0 : i32
    %dma_start3A_313 = tpu.memref_slice %arg3[%arg1, %add3A_310, %dma_start3A_311, %dma_start3A_312] : memref<16x2064x16x128xbf16, #tpu.memory_space<hbm>> -> memref<1x43x16x128xbf16, #tpu.memory_space<hbm>>
    %dma_start3A_314 = tpu.memref_squeeze %dma_start3A_313 : memref<1x43x16x128xbf16, #tpu.memory_space<hbm>> -> memref<43x16x128xbf16, #tpu.memory_space<hbm>>
    %dma_start3A_315 = arith.constant 0 : i32
    %dma_start3A_316 = arith.constant 0 : i32
    %dma_start3A_317 = arith.constant 0 : i32
    %dma_start3A_318 = tpu.memref_slice %arg5[%arg1, %dma_start3A_315, %dma_start3A_316, %dma_start3A_317] : memref<16x43x16x128xbf16, #tpu.memory_space<vmem_shared>> -> memref<1x43x16x128xbf16, #tpu.memory_space<vmem_shared>>
    %dma_start3A_319 = tpu.memref_squeeze %dma_start3A_318 : memref<1x43x16x128xbf16, #tpu.memory_space<vmem_shared>> -> memref<43x16x128xbf16, #tpu.memory_space<vmem_shared>>
    tpu.enqueue_dma source(%dma_start3A_319 : memref<43x16x128xbf16, #tpu.memory_space<vmem_shared>>) target(%dma_start3A_314 : memref<43x16x128xbf16, #tpu.memory_space<hbm>>) target_semaphore(%arg9 : memref<!tpu.dma_semaphore, #tpu.memory_space<semaphore_mem>>)
    %dma_wait3A_320 = arith.constant 0 : i32
    %dma_wait3A_321 = arith.constant 0 : i32
    %dma_wait3A_322 = tpu.memref_slice %arg3[%arg1, %add3A_310, %dma_wait3A_320, %dma_wait3A_321] : memref<16x2064x16x128xbf16, #tpu.memory_space<hbm>> -> memref<1x43x16x128xbf16, #tpu.memory_space<hbm>>
    %dma_wait3A_323 = tpu.memref_squeeze %dma_wait3A_322 : memref<1x43x16x128xbf16, #tpu.memory_space<hbm>> -> memref<43x16x128xbf16, #tpu.memory_space<hbm>>
    %dma_wait3A_324 = arith.constant 0 : i32
    %dma_wait3A_325 = arith.constant 0 : i32
    %dma_wait3A_326 = arith.constant 0 : i32
    %dma_wait3A_327 = tpu.memref_slice %arg5[%arg1, %dma_wait3A_324, %dma_wait3A_325, %dma_wait3A_326] : memref<16x43x16x128xbf16, #tpu.memory_space<vmem_shared>> -> memref<1x43x16x128xbf16, #tpu.memory_space<vmem_shared>>
    %dma_wait3A_328 = tpu.memref_squeeze %dma_wait3A_327 : memref<1x43x16x128xbf16, #tpu.memory_space<vmem_shared>> -> memref<43x16x128xbf16, #tpu.memory_space<vmem_shared>>
    tpu.wait_dma2 semaphore(%arg9 : memref<!tpu.dma_semaphore, #tpu.memory_space<semaphore_mem>>) src(%dma_wait3A_328 : memref<43x16x128xbf16, #tpu.memory_space<vmem_shared>>) dst(%dma_wait3A_323 : memref<43x16x128xbf16, #tpu.memory_space<hbm>>)
    %add3A_329 = arith.constant 387 : i32
    %add3A_330 = arith.addi %mul3A_0, %add3A_329 : i32
    %dma_start3A_331 = arith.constant 0 : i32
    %dma_start3A_332 = arith.constant 0 : i32
    %dma_start3A_333 = arith.constant 0 : i32
    %dma_start3A_334 = tpu.memref_slice %arg5[%arg1, %dma_start3A_331, %dma_start3A_332, %dma_start3A_333] : memref<16x43x16x128xbf16, #tpu.memory_space<vmem_shared>> -> memref<1x43x16x128xbf16, #tpu.memory_space<vmem_shared>>
    %dma_start3A_335 = tpu.memref_squeeze %dma_start3A_334 : memref<1x43x16x128xbf16, #tpu.memory_space<vmem_shared>> -> memref<43x16x128xbf16, #tpu.memory_space<vmem_shared>>
    %dma_start3A_336 = arith.constant 0 : i32
    %dma_start3A_337 = arith.constant 0 : i32
    %dma_start3A_338 = tpu.memref_slice %arg2[%arg1, %add3A_330, %dma_start3A_336, %dma_start3A_337] : memref<16x4096x16x128xbf16, #tpu.memory_space<hbm>> -> memref<1x43x16x128xbf16, #tpu.memory_space<hbm>>
    %dma_start3A_339 = tpu.memref_squeeze %dma_start3A_338 : memref<1x43x16x128xbf16, #tpu.memory_space<hbm>> -> memref<43x16x128xbf16, #tpu.memory_space<hbm>>
    tpu.enqueue_dma source(%dma_start3A_339 : memref<43x16x128xbf16, #tpu.memory_space<hbm>>) target(%dma_start3A_335 : memref<43x16x128xbf16, #tpu.memory_space<vmem_shared>>) target_semaphore(%arg7 : memref<!tpu.dma_semaphore, #tpu.memory_space<semaphore_mem>>)
    %dma_wait3A_340 = arith.constant 0 : i32
    %dma_wait3A_341 = arith.constant 0 : i32
    %dma_wait3A_342 = arith.constant 0 : i32
    %dma_wait3A_343 = tpu.memref_slice %arg4[%arg1, %dma_wait3A_340, %dma_wait3A_341, %dma_wait3A_342] : memref<16x43x16x128xbf16, #tpu.memory_space<vmem_shared>> -> memref<1x43x16x128xbf16, #tpu.memory_space<vmem_shared>>
    %dma_wait3A_344 = tpu.memref_squeeze %dma_wait3A_343 : memref<1x43x16x128xbf16, #tpu.memory_space<vmem_shared>> -> memref<43x16x128xbf16, #tpu.memory_space<vmem_shared>>
    %dma_wait3A_345 = arith.constant 0 : i32
    %dma_wait3A_346 = arith.constant 0 : i32
    %dma_wait3A_347 = tpu.memref_slice %arg2[%arg1, %add3A_290, %dma_wait3A_345, %dma_wait3A_346] : memref<16x4096x16x128xbf16, #tpu.memory_space<hbm>> -> memref<1x43x16x128xbf16, #tpu.memory_space<hbm>>
    %dma_wait3A_348 = tpu.memref_squeeze %dma_wait3A_347 : memref<1x43x16x128xbf16, #tpu.memory_space<hbm>> -> memref<43x16x128xbf16, #tpu.memory_space<hbm>>
    tpu.wait_dma2 semaphore(%arg6 : memref<!tpu.dma_semaphore, #tpu.memory_space<semaphore_mem>>) src(%dma_wait3A_348 : memref<43x16x128xbf16, #tpu.memory_space<hbm>>) dst(%dma_wait3A_344 : memref<43x16x128xbf16, #tpu.memory_space<vmem_shared>>)
    %add3A_349 = arith.constant 344 : i32
    %add3A_350 = arith.addi %mul3A_0, %add3A_349 : i32
    %dma_start3A_351 = arith.constant 0 : i32
    %dma_start3A_352 = arith.constant 0 : i32
    %dma_start3A_353 = tpu.memref_slice %arg3[%arg1, %add3A_350, %dma_start3A_351, %dma_start3A_352] : memref<16x2064x16x128xbf16, #tpu.memory_space<hbm>> -> memref<1x43x16x128xbf16, #tpu.memory_space<hbm>>
    %dma_start3A_354 = tpu.memref_squeeze %dma_start3A_353 : memref<1x43x16x128xbf16, #tpu.memory_space<hbm>> -> memref<43x16x128xbf16, #tpu.memory_space<hbm>>
    %dma_start3A_355 = arith.constant 0 : i32
    %dma_start3A_356 = arith.constant 0 : i32
    %dma_start3A_357 = arith.constant 0 : i32
    %dma_start3A_358 = tpu.memref_slice %arg4[%arg1, %dma_start3A_355, %dma_start3A_356, %dma_start3A_357] : memref<16x43x16x128xbf16, #tpu.memory_space<vmem_shared>> -> memref<1x43x16x128xbf16, #tpu.memory_space<vmem_shared>>
    %dma_start3A_359 = tpu.memref_squeeze %dma_start3A_358 : memref<1x43x16x128xbf16, #tpu.memory_space<vmem_shared>> -> memref<43x16x128xbf16, #tpu.memory_space<vmem_shared>>
    tpu.enqueue_dma source(%dma_start3A_359 : memref<43x16x128xbf16, #tpu.memory_space<vmem_shared>>) target(%dma_start3A_354 : memref<43x16x128xbf16, #tpu.memory_space<hbm>>) target_semaphore(%arg8 : memref<!tpu.dma_semaphore, #tpu.memory_space<semaphore_mem>>)
    %dma_wait3A_360 = arith.constant 0 : i32
    %dma_wait3A_361 = arith.constant 0 : i32
    %dma_wait3A_362 = tpu.memref_slice %arg3[%arg1, %add3A_350, %dma_wait3A_360, %dma_wait3A_361] : memref<16x2064x16x128xbf16, #tpu.memory_space<hbm>> -> memref<1x43x16x128xbf16, #tpu.memory_space<hbm>>
    %dma_wait3A_363 = tpu.memref_squeeze %dma_wait3A_362 : memref<1x43x16x128xbf16, #tpu.memory_space<hbm>> -> memref<43x16x128xbf16, #tpu.memory_space<hbm>>
    %dma_wait3A_364 = arith.constant 0 : i32
    %dma_wait3A_365 = arith.constant 0 : i32
    %dma_wait3A_366 = arith.constant 0 : i32
    %dma_wait3A_367 = tpu.memref_slice %arg4[%arg1, %dma_wait3A_364, %dma_wait3A_365, %dma_wait3A_366] : memref<16x43x16x128xbf16, #tpu.memory_space<vmem_shared>> -> memref<1x43x16x128xbf16, #tpu.memory_space<vmem_shared>>
    %dma_wait3A_368 = tpu.memref_squeeze %dma_wait3A_367 : memref<1x43x16x128xbf16, #tpu.memory_space<vmem_shared>> -> memref<43x16x128xbf16, #tpu.memory_space<vmem_shared>>
    tpu.wait_dma2 semaphore(%arg8 : memref<!tpu.dma_semaphore, #tpu.memory_space<semaphore_mem>>) src(%dma_wait3A_368 : memref<43x16x128xbf16, #tpu.memory_space<vmem_shared>>) dst(%dma_wait3A_363 : memref<43x16x128xbf16, #tpu.memory_space<hbm>>)
    %add3A_369 = arith.constant 430 : i32
    %add3A_370 = arith.addi %mul3A_0, %add3A_369 : i32
    %dma_start3A_371 = arith.constant 0 : i32
    %dma_start3A_372 = arith.constant 0 : i32
    %dma_start3A_373 = arith.constant 0 : i32
    %dma_start3A_374 = tpu.memref_slice %arg4[%arg1, %dma_start3A_371, %dma_start3A_372, %dma_start3A_373] : memref<16x43x16x128xbf16, #tpu.memory_space<vmem_shared>> -> memref<1x43x16x128xbf16, #tpu.memory_space<vmem_shared>>
    %dma_start3A_375 = tpu.memref_squeeze %dma_start3A_374 : memref<1x43x16x128xbf16, #tpu.memory_space<vmem_shared>> -> memref<43x16x128xbf16, #tpu.memory_space<vmem_shared>>
    %dma_start3A_376 = arith.constant 0 : i32
    %dma_start3A_377 = arith.constant 0 : i32
    %dma_start3A_378 = tpu.memref_slice %arg2[%arg1, %add3A_370, %dma_start3A_376, %dma_start3A_377] : memref<16x4096x16x128xbf16, #tpu.memory_space<hbm>> -> memref<1x43x16x128xbf16, #tpu.memory_space<hbm>>
    %dma_start3A_379 = tpu.memref_squeeze %dma_start3A_378 : memref<1x43x16x128xbf16, #tpu.memory_space<hbm>> -> memref<43x16x128xbf16, #tpu.memory_space<hbm>>
    tpu.enqueue_dma source(%dma_start3A_379 : memref<43x16x128xbf16, #tpu.memory_space<hbm>>) target(%dma_start3A_375 : memref<43x16x128xbf16, #tpu.memory_space<vmem_shared>>) target_semaphore(%arg6 : memref<!tpu.dma_semaphore, #tpu.memory_space<semaphore_mem>>)
    %dma_wait3A_380 = arith.constant 0 : i32
    %dma_wait3A_381 = arith.constant 0 : i32
    %dma_wait3A_382 = arith.constant 0 : i32
    %dma_wait3A_383 = tpu.memref_slice %arg5[%arg1, %dma_wait3A_380, %dma_wait3A_381, %dma_wait3A_382] : memref<16x43x16x128xbf16, #tpu.memory_space<vmem_shared>> -> memref<1x43x16x128xbf16, #tpu.memory_space<vmem_shared>>
    %dma_wait3A_384 = tpu.memref_squeeze %dma_wait3A_383 : memref<1x43x16x128xbf16, #tpu.memory_space<vmem_shared>> -> memref<43x16x128xbf16, #tpu.memory_space<vmem_shared>>
    %dma_wait3A_385 = arith.constant 0 : i32
    %dma_wait3A_386 = arith.constant 0 : i32
    %dma_wait3A_387 = tpu.memref_slice %arg2[%arg1, %add3A_330, %dma_wait3A_385, %dma_wait3A_386] : memref<16x4096x16x128xbf16, #tpu.memory_space<hbm>> -> memref<1x43x16x128xbf16, #tpu.memory_space<hbm>>
    %dma_wait3A_388 = tpu.memref_squeeze %dma_wait3A_387 : memref<1x43x16x128xbf16, #tpu.memory_space<hbm>> -> memref<43x16x128xbf16, #tpu.memory_space<hbm>>
    tpu.wait_dma2 semaphore(%arg7 : memref<!tpu.dma_semaphore, #tpu.memory_space<semaphore_mem>>) src(%dma_wait3A_388 : memref<43x16x128xbf16, #tpu.memory_space<hbm>>) dst(%dma_wait3A_384 : memref<43x16x128xbf16, #tpu.memory_space<vmem_shared>>)
    %add3A_389 = arith.constant 387 : i32
    %add3A_390 = arith.addi %mul3A_0, %add3A_389 : i32
    %dma_start3A_391 = arith.constant 0 : i32
    %dma_start3A_392 = arith.constant 0 : i32
    %dma_start3A_393 = tpu.memref_slice %arg3[%arg1, %add3A_390, %dma_start3A_391, %dma_start3A_392] : memref<16x2064x16x128xbf16, #tpu.memory_space<hbm>> -> memref<1x43x16x128xbf16, #tpu.memory_space<hbm>>
    %dma_start3A_394 = tpu.memref_squeeze %dma_start3A_393 : memref<1x43x16x128xbf16, #tpu.memory_space<hbm>> -> memref<43x16x128xbf16, #tpu.memory_space<hbm>>
    %dma_start3A_395 = arith.constant 0 : i32
    %dma_start3A_396 = arith.constant 0 : i32
    %dma_start3A_397 = arith.constant 0 : i32
    %dma_start3A_398 = tpu.memref_slice %arg5[%arg1, %dma_start3A_395, %dma_start3A_396, %dma_start3A_397] : memref<16x43x16x128xbf16, #tpu.memory_space<vmem_shared>> -> memref<1x43x16x128xbf16, #tpu.memory_space<vmem_shared>>
    %dma_start3A_399 = tpu.memref_squeeze %dma_start3A_398 : memref<1x43x16x128xbf16, #tpu.memory_space<vmem_shared>> -> memref<43x16x128xbf16, #tpu.memory_space<vmem_shared>>
    tpu.enqueue_dma source(%dma_start3A_399 : memref<43x16x128xbf16, #tpu.memory_space<vmem_shared>>) target(%dma_start3A_394 : memref<43x16x128xbf16, #tpu.memory_space<hbm>>) target_semaphore(%arg9 : memref<!tpu.dma_semaphore, #tpu.memory_space<semaphore_mem>>)
    %dma_wait3A_400 = arith.constant 0 : i32
    %dma_wait3A_401 = arith.constant 0 : i32
    %dma_wait3A_402 = tpu.memref_slice %arg3[%arg1, %add3A_390, %dma_wait3A_400, %dma_wait3A_401] : memref<16x2064x16x128xbf16, #tpu.memory_space<hbm>> -> memref<1x43x16x128xbf16, #tpu.memory_space<hbm>>
    %dma_wait3A_403 = tpu.memref_squeeze %dma_wait3A_402 : memref<1x43x16x128xbf16, #tpu.memory_space<hbm>> -> memref<43x16x128xbf16, #tpu.memory_space<hbm>>
    %dma_wait3A_404 = arith.constant 0 : i32
    %dma_wait3A_405 = arith.constant 0 : i32
    %dma_wait3A_406 = arith.constant 0 : i32
    %dma_wait3A_407 = tpu.memref_slice %arg5[%arg1, %dma_wait3A_404, %dma_wait3A_405, %dma_wait3A_406] : memref<16x43x16x128xbf16, #tpu.memory_space<vmem_shared>> -> memref<1x43x16x128xbf16, #tpu.memory_space<vmem_shared>>
    %dma_wait3A_408 = tpu.memref_squeeze %dma_wait3A_407 : memref<1x43x16x128xbf16, #tpu.memory_space<vmem_shared>> -> memref<43x16x128xbf16, #tpu.memory_space<vmem_shared>>
    tpu.wait_dma2 semaphore(%arg9 : memref<!tpu.dma_semaphore, #tpu.memory_space<semaphore_mem>>) src(%dma_wait3A_408 : memref<43x16x128xbf16, #tpu.memory_space<vmem_shared>>) dst(%dma_wait3A_403 : memref<43x16x128xbf16, #tpu.memory_space<hbm>>)
    %add3A_409 = arith.constant 473 : i32
    %add3A_410 = arith.addi %mul3A_0, %add3A_409 : i32
    %dma_start3A_411 = arith.constant 0 : i32
    %dma_start3A_412 = arith.constant 0 : i32
    %dma_start3A_413 = arith.constant 0 : i32
    %dma_start3A_414 = tpu.memref_slice %arg5[%arg1, %dma_start3A_411, %dma_start3A_412, %dma_start3A_413] : memref<16x43x16x128xbf16, #tpu.memory_space<vmem_shared>> -> memref<1x43x16x128xbf16, #tpu.memory_space<vmem_shared>>
    %dma_start3A_415 = tpu.memref_squeeze %dma_start3A_414 : memref<1x43x16x128xbf16, #tpu.memory_space<vmem_shared>> -> memref<43x16x128xbf16, #tpu.memory_space<vmem_shared>>
    %dma_start3A_416 = arith.constant 0 : i32
    %dma_start3A_417 = arith.constant 0 : i32
    %dma_start3A_418 = tpu.memref_slice %arg2[%arg1, %add3A_410, %dma_start3A_416, %dma_start3A_417] : memref<16x4096x16x128xbf16, #tpu.memory_space<hbm>> -> memref<1x43x16x128xbf16, #tpu.memory_space<hbm>>
    %dma_start3A_419 = tpu.memref_squeeze %dma_start3A_418 : memref<1x43x16x128xbf16, #tpu.memory_space<hbm>> -> memref<43x16x128xbf16, #tpu.memory_space<hbm>>
    tpu.enqueue_dma source(%dma_start3A_419 : memref<43x16x128xbf16, #tpu.memory_space<hbm>>) target(%dma_start3A_415 : memref<43x16x128xbf16, #tpu.memory_space<vmem_shared>>) target_semaphore(%arg7 : memref<!tpu.dma_semaphore, #tpu.memory_space<semaphore_mem>>)
    %dma_wait3A_420 = arith.constant 0 : i32
    %dma_wait3A_421 = arith.constant 0 : i32
    %dma_wait3A_422 = arith.constant 0 : i32
    %dma_wait3A_423 = tpu.memref_slice %arg4[%arg1, %dma_wait3A_420, %dma_wait3A_421, %dma_wait3A_422] : memref<16x43x16x128xbf16, #tpu.memory_space<vmem_shared>> -> memref<1x43x16x128xbf16, #tpu.memory_space<vmem_shared>>
    %dma_wait3A_424 = tpu.memref_squeeze %dma_wait3A_423 : memref<1x43x16x128xbf16, #tpu.memory_space<vmem_shared>> -> memref<43x16x128xbf16, #tpu.memory_space<vmem_shared>>
    %dma_wait3A_425 = arith.constant 0 : i32
    %dma_wait3A_426 = arith.constant 0 : i32
    %dma_wait3A_427 = tpu.memref_slice %arg2[%arg1, %add3A_370, %dma_wait3A_425, %dma_wait3A_426] : memref<16x4096x16x128xbf16, #tpu.memory_space<hbm>> -> memref<1x43x16x128xbf16, #tpu.memory_space<hbm>>
    %dma_wait3A_428 = tpu.memref_squeeze %dma_wait3A_427 : memref<1x43x16x128xbf16, #tpu.memory_space<hbm>> -> memref<43x16x128xbf16, #tpu.memory_space<hbm>>
    tpu.wait_dma2 semaphore(%arg6 : memref<!tpu.dma_semaphore, #tpu.memory_space<semaphore_mem>>) src(%dma_wait3A_428 : memref<43x16x128xbf16, #tpu.memory_space<hbm>>) dst(%dma_wait3A_424 : memref<43x16x128xbf16, #tpu.memory_space<vmem_shared>>)
    %add3A_429 = arith.constant 430 : i32
    %add3A_430 = arith.addi %mul3A_0, %add3A_429 : i32
    %dma_start3A_431 = arith.constant 0 : i32
    %dma_start3A_432 = arith.constant 0 : i32
    %dma_start3A_433 = tpu.memref_slice %arg3[%arg1, %add3A_430, %dma_start3A_431, %dma_start3A_432] : memref<16x2064x16x128xbf16, #tpu.memory_space<hbm>> -> memref<1x43x16x128xbf16, #tpu.memory_space<hbm>>
    %dma_start3A_434 = tpu.memref_squeeze %dma_start3A_433 : memref<1x43x16x128xbf16, #tpu.memory_space<hbm>> -> memref<43x16x128xbf16, #tpu.memory_space<hbm>>
    %dma_start3A_435 = arith.constant 0 : i32
    %dma_start3A_436 = arith.constant 0 : i32
    %dma_start3A_437 = arith.constant 0 : i32
    %dma_start3A_438 = tpu.memref_slice %arg4[%arg1, %dma_start3A_435, %dma_start3A_436, %dma_start3A_437] : memref<16x43x16x128xbf16, #tpu.memory_space<vmem_shared>> -> memref<1x43x16x128xbf16, #tpu.memory_space<vmem_shared>>
    %dma_start3A_439 = tpu.memref_squeeze %dma_start3A_438 : memref<1x43x16x128xbf16, #tpu.memory_space<vmem_shared>> -> memref<43x16x128xbf16, #tpu.memory_space<vmem_shared>>
    tpu.enqueue_dma source(%dma_start3A_439 : memref<43x16x128xbf16, #tpu.memory_space<vmem_shared>>) target(%dma_start3A_434 : memref<43x16x128xbf16, #tpu.memory_space<hbm>>) target_semaphore(%arg8 : memref<!tpu.dma_semaphore, #tpu.memory_space<semaphore_mem>>)
    %dma_wait3A_440 = arith.constant 0 : i32
    %dma_wait3A_441 = arith.constant 0 : i32
    %dma_wait3A_442 = tpu.memref_slice %arg3[%arg1, %add3A_430, %dma_wait3A_440, %dma_wait3A_441] : memref<16x2064x16x128xbf16, #tpu.memory_space<hbm>> -> memref<1x43x16x128xbf16, #tpu.memory_space<hbm>>
    %dma_wait3A_443 = tpu.memref_squeeze %dma_wait3A_442 : memref<1x43x16x128xbf16, #tpu.memory_space<hbm>> -> memref<43x16x128xbf16, #tpu.memory_space<hbm>>
    %dma_wait3A_444 = arith.constant 0 : i32
    %dma_wait3A_445 = arith.constant 0 : i32
    %dma_wait3A_446 = arith.constant 0 : i32
    %dma_wait3A_447 = tpu.memref_slice %arg4[%arg1, %dma_wait3A_444, %dma_wait3A_445, %dma_wait3A_446] : memref<16x43x16x128xbf16, #tpu.memory_space<vmem_shared>> -> memref<1x43x16x128xbf16, #tpu.memory_space<vmem_shared>>
    %dma_wait3A_448 = tpu.memref_squeeze %dma_wait3A_447 : memref<1x43x16x128xbf16, #tpu.memory_space<vmem_shared>> -> memref<43x16x128xbf16, #tpu.memory_space<vmem_shared>>
    tpu.wait_dma2 semaphore(%arg8 : memref<!tpu.dma_semaphore, #tpu.memory_space<semaphore_mem>>) src(%dma_wait3A_448 : memref<43x16x128xbf16, #tpu.memory_space<vmem_shared>>) dst(%dma_wait3A_443 : memref<43x16x128xbf16, #tpu.memory_space<hbm>>)
    %add3A_449 = arith.constant 516 : i32
    %add3A_450 = arith.addi %mul3A_0, %add3A_449 : i32
    %dma_start3A_451 = arith.constant 0 : i32
    %dma_start3A_452 = arith.constant 0 : i32
    %dma_start3A_453 = arith.constant 0 : i32
    %dma_start3A_454 = tpu.memref_slice %arg4[%arg1, %dma_start3A_451, %dma_start3A_452, %dma_start3A_453] : memref<16x43x16x128xbf16, #tpu.memory_space<vmem_shared>> -> memref<1x43x16x128xbf16, #tpu.memory_space<vmem_shared>>
    %dma_start3A_455 = tpu.memref_squeeze %dma_start3A_454 : memref<1x43x16x128xbf16, #tpu.memory_space<vmem_shared>> -> memref<43x16x128xbf16, #tpu.memory_space<vmem_shared>>
    %dma_start3A_456 = arith.constant 0 : i32
    %dma_start3A_457 = arith.constant 0 : i32
    %dma_start3A_458 = tpu.memref_slice %arg2[%arg1, %add3A_450, %dma_start3A_456, %dma_start3A_457] : memref<16x4096x16x128xbf16, #tpu.memory_space<hbm>> -> memref<1x43x16x128xbf16, #tpu.memory_space<hbm>>
    %dma_start3A_459 = tpu.memref_squeeze %dma_start3A_458 : memref<1x43x16x128xbf16, #tpu.memory_space<hbm>> -> memref<43x16x128xbf16, #tpu.memory_space<hbm>>
    tpu.enqueue_dma source(%dma_start3A_459 : memref<43x16x128xbf16, #tpu.memory_space<hbm>>) target(%dma_start3A_455 : memref<43x16x128xbf16, #tpu.memory_space<vmem_shared>>) target_semaphore(%arg6 : memref<!tpu.dma_semaphore, #tpu.memory_space<semaphore_mem>>)
    %dma_wait3A_460 = arith.constant 0 : i32
    %dma_wait3A_461 = arith.constant 0 : i32
    %dma_wait3A_462 = arith.constant 0 : i32
    %dma_wait3A_463 = tpu.memref_slice %arg5[%arg1, %dma_wait3A_460, %dma_wait3A_461, %dma_wait3A_462] : memref<16x43x16x128xbf16, #tpu.memory_space<vmem_shared>> -> memref<1x43x16x128xbf16, #tpu.memory_space<vmem_shared>>
    %dma_wait3A_464 = tpu.memref_squeeze %dma_wait3A_463 : memref<1x43x16x128xbf16, #tpu.memory_space<vmem_shared>> -> memref<43x16x128xbf16, #tpu.memory_space<vmem_shared>>
    %dma_wait3A_465 = arith.constant 0 : i32
    %dma_wait3A_466 = arith.constant 0 : i32
    %dma_wait3A_467 = tpu.memref_slice %arg2[%arg1, %add3A_410, %dma_wait3A_465, %dma_wait3A_466] : memref<16x4096x16x128xbf16, #tpu.memory_space<hbm>> -> memref<1x43x16x128xbf16, #tpu.memory_space<hbm>>
    %dma_wait3A_468 = tpu.memref_squeeze %dma_wait3A_467 : memref<1x43x16x128xbf16, #tpu.memory_space<hbm>> -> memref<43x16x128xbf16, #tpu.memory_space<hbm>>
    tpu.wait_dma2 semaphore(%arg7 : memref<!tpu.dma_semaphore, #tpu.memory_space<semaphore_mem>>) src(%dma_wait3A_468 : memref<43x16x128xbf16, #tpu.memory_space<hbm>>) dst(%dma_wait3A_464 : memref<43x16x128xbf16, #tpu.memory_space<vmem_shared>>)
    %add3A_469 = arith.constant 473 : i32
    %add3A_470 = arith.addi %mul3A_0, %add3A_469 : i32
    %dma_start3A_471 = arith.constant 0 : i32
    %dma_start3A_472 = arith.constant 0 : i32
    %dma_start3A_473 = tpu.memref_slice %arg3[%arg1, %add3A_470, %dma_start3A_471, %dma_start3A_472] : memref<16x2064x16x128xbf16, #tpu.memory_space<hbm>> -> memref<1x43x16x128xbf16, #tpu.memory_space<hbm>>
    %dma_start3A_474 = tpu.memref_squeeze %dma_start3A_473 : memref<1x43x16x128xbf16, #tpu.memory_space<hbm>> -> memref<43x16x128xbf16, #tpu.memory_space<hbm>>
    %dma_start3A_475 = arith.constant 0 : i32
    %dma_start3A_476 = arith.constant 0 : i32
    %dma_start3A_477 = arith.constant 0 : i32
    %dma_start3A_478 = tpu.memref_slice %arg5[%arg1, %dma_start3A_475, %dma_start3A_476, %dma_start3A_477] : memref<16x43x16x128xbf16, #tpu.memory_space<vmem_shared>> -> memref<1x43x16x128xbf16, #tpu.memory_space<vmem_shared>>
    %dma_start3A_479 = tpu.memref_squeeze %dma_start3A_478 : memref<1x43x16x128xbf16, #tpu.memory_space<vmem_shared>> -> memref<43x16x128xbf16, #tpu.memory_space<vmem_shared>>
    tpu.enqueue_dma source(%dma_start3A_479 : memref<43x16x128xbf16, #tpu.memory_space<vmem_shared>>) target(%dma_start3A_474 : memref<43x16x128xbf16, #tpu.memory_space<hbm>>) target_semaphore(%arg9 : memref<!tpu.dma_semaphore, #tpu.memory_space<semaphore_mem>>)
    %dma_wait3A_480 = arith.constant 0 : i32
    %dma_wait3A_481 = arith.constant 0 : i32
    %dma_wait3A_482 = tpu.memref_slice %arg3[%arg1, %add3A_470, %dma_wait3A_480, %dma_wait3A_481] : memref<16x2064x16x128xbf16, #tpu.memory_space<hbm>> -> memref<1x43x16x128xbf16, #tpu.memory_space<hbm>>
    %dma_wait3A_483 = tpu.memref_squeeze %dma_wait3A_482 : memref<1x43x16x128xbf16, #tpu.memory_space<hbm>> -> memref<43x16x128xbf16, #tpu.memory_space<hbm>>
    %dma_wait3A_484 = arith.constant 0 : i32
    %dma_wait3A_485 = arith.constant 0 : i32
    %dma_wait3A_486 = arith.constant 0 : i32
    %dma_wait3A_487 = tpu.memref_slice %arg5[%arg1, %dma_wait3A_484, %dma_wait3A_485, %dma_wait3A_486] : memref<16x43x16x128xbf16, #tpu.memory_space<vmem_shared>> -> memref<1x43x16x128xbf16, #tpu.memory_space<vmem_shared>>
    %dma_wait3A_488 = tpu.memref_squeeze %dma_wait3A_487 : memref<1x43x16x128xbf16, #tpu.memory_space<vmem_shared>> -> memref<43x16x128xbf16, #tpu.memory_space<vmem_shared>>
    tpu.wait_dma2 semaphore(%arg9 : memref<!tpu.dma_semaphore, #tpu.memory_space<semaphore_mem>>) src(%dma_wait3A_488 : memref<43x16x128xbf16, #tpu.memory_space<vmem_shared>>) dst(%dma_wait3A_483 : memref<43x16x128xbf16, #tpu.memory_space<hbm>>)
    %add3A_489 = arith.constant 559 : i32
    %add3A_490 = arith.addi %mul3A_0, %add3A_489 : i32
    %dma_start3A_491 = arith.constant 0 : i32
    %dma_start3A_492 = arith.constant 0 : i32
    %dma_start3A_493 = arith.constant 0 : i32
    %dma_start3A_494 = tpu.memref_slice %arg5[%arg1, %dma_start3A_491, %dma_start3A_492, %dma_start3A_493] : memref<16x43x16x128xbf16, #tpu.memory_space<vmem_shared>> -> memref<1x43x16x128xbf16, #tpu.memory_space<vmem_shared>>
    %dma_start3A_495 = tpu.memref_squeeze %dma_start3A_494 : memref<1x43x16x128xbf16, #tpu.memory_space<vmem_shared>> -> memref<43x16x128xbf16, #tpu.memory_space<vmem_shared>>
    %dma_start3A_496 = arith.constant 0 : i32
    %dma_start3A_497 = arith.constant 0 : i32
    %dma_start3A_498 = tpu.memref_slice %arg2[%arg1, %add3A_490, %dma_start3A_496, %dma_start3A_497] : memref<16x4096x16x128xbf16, #tpu.memory_space<hbm>> -> memref<1x43x16x128xbf16, #tpu.memory_space<hbm>>
    %dma_start3A_499 = tpu.memref_squeeze %dma_start3A_498 : memref<1x43x16x128xbf16, #tpu.memory_space<hbm>> -> memref<43x16x128xbf16, #tpu.memory_space<hbm>>
    tpu.enqueue_dma source(%dma_start3A_499 : memref<43x16x128xbf16, #tpu.memory_space<hbm>>) target(%dma_start3A_495 : memref<43x16x128xbf16, #tpu.memory_space<vmem_shared>>) target_semaphore(%arg7 : memref<!tpu.dma_semaphore, #tpu.memory_space<semaphore_mem>>)
    %dma_wait3A_500 = arith.constant 0 : i32
    %dma_wait3A_501 = arith.constant 0 : i32
    %dma_wait3A_502 = arith.constant 0 : i32
    %dma_wait3A_503 = tpu.memref_slice %arg4[%arg1, %dma_wait3A_500, %dma_wait3A_501, %dma_wait3A_502] : memref<16x43x16x128xbf16, #tpu.memory_space<vmem_shared>> -> memref<1x43x16x128xbf16, #tpu.memory_space<vmem_shared>>
    %dma_wait3A_504 = tpu.memref_squeeze %dma_wait3A_503 : memref<1x43x16x128xbf16, #tpu.memory_space<vmem_shared>> -> memref<43x16x128xbf16, #tpu.memory_space<vmem_shared>>
    %dma_wait3A_505 = arith.constant 0 : i32
    %dma_wait3A_506 = arith.constant 0 : i32
    %dma_wait3A_507 = tpu.memref_slice %arg2[%arg1, %add3A_450, %dma_wait3A_505, %dma_wait3A_506] : memref<16x4096x16x128xbf16, #tpu.memory_space<hbm>> -> memref<1x43x16x128xbf16, #tpu.memory_space<hbm>>
    %dma_wait3A_508 = tpu.memref_squeeze %dma_wait3A_507 : memref<1x43x16x128xbf16, #tpu.memory_space<hbm>> -> memref<43x16x128xbf16, #tpu.memory_space<hbm>>
    tpu.wait_dma2 semaphore(%arg6 : memref<!tpu.dma_semaphore, #tpu.memory_space<semaphore_mem>>) src(%dma_wait3A_508 : memref<43x16x128xbf16, #tpu.memory_space<hbm>>) dst(%dma_wait3A_504 : memref<43x16x128xbf16, #tpu.memory_space<vmem_shared>>)
    %add3A_509 = arith.constant 516 : i32
    %add3A_510 = arith.addi %mul3A_0, %add3A_509 : i32
    %dma_start3A_511 = arith.constant 0 : i32
    %dma_start3A_512 = arith.constant 0 : i32
    %dma_start3A_513 = tpu.memref_slice %arg3[%arg1, %add3A_510, %dma_start3A_511, %dma_start3A_512] : memref<16x2064x16x128xbf16, #tpu.memory_space<hbm>> -> memref<1x43x16x128xbf16, #tpu.memory_space<hbm>>
    %dma_start3A_514 = tpu.memref_squeeze %dma_start3A_513 : memref<1x43x16x128xbf16, #tpu.memory_space<hbm>> -> memref<43x16x128xbf16, #tpu.memory_space<hbm>>
    %dma_start3A_515 = arith.constant 0 : i32
    %dma_start3A_516 = arith.constant 0 : i32
    %dma_start3A_517 = arith.constant 0 : i32
    %dma_start3A_518 = tpu.memref_slice %arg4[%arg1, %dma_start3A_515, %dma_start3A_516, %dma_start3A_517] : memref<16x43x16x128xbf16, #tpu.memory_space<vmem_shared>> -> memref<1x43x16x128xbf16, #tpu.memory_space<vmem_shared>>
    %dma_start3A_519 = tpu.memref_squeeze %dma_start3A_518 : memref<1x43x16x128xbf16, #tpu.memory_space<vmem_shared>> -> memref<43x16x128xbf16, #tpu.memory_space<vmem_shared>>
    tpu.enqueue_dma source(%dma_start3A_519 : memref<43x16x128xbf16, #tpu.memory_space<vmem_shared>>) target(%dma_start3A_514 : memref<43x16x128xbf16, #tpu.memory_space<hbm>>) target_semaphore(%arg8 : memref<!tpu.dma_semaphore, #tpu.memory_space<semaphore_mem>>)
    %dma_wait3A_520 = arith.constant 0 : i32
    %dma_wait3A_521 = arith.constant 0 : i32
    %dma_wait3A_522 = tpu.memref_slice %arg3[%arg1, %add3A_510, %dma_wait3A_520, %dma_wait3A_521] : memref<16x2064x16x128xbf16, #tpu.memory_space<hbm>> -> memref<1x43x16x128xbf16, #tpu.memory_space<hbm>>
    %dma_wait3A_523 = tpu.memref_squeeze %dma_wait3A_522 : memref<1x43x16x128xbf16, #tpu.memory_space<hbm>> -> memref<43x16x128xbf16, #tpu.memory_space<hbm>>
    %dma_wait3A_524 = arith.constant 0 : i32
    %dma_wait3A_525 = arith.constant 0 : i32
    %dma_wait3A_526 = arith.constant 0 : i32
    %dma_wait3A_527 = tpu.memref_slice %arg4[%arg1, %dma_wait3A_524, %dma_wait3A_525, %dma_wait3A_526] : memref<16x43x16x128xbf16, #tpu.memory_space<vmem_shared>> -> memref<1x43x16x128xbf16, #tpu.memory_space<vmem_shared>>
    %dma_wait3A_528 = tpu.memref_squeeze %dma_wait3A_527 : memref<1x43x16x128xbf16, #tpu.memory_space<vmem_shared>> -> memref<43x16x128xbf16, #tpu.memory_space<vmem_shared>>
    tpu.wait_dma2 semaphore(%arg8 : memref<!tpu.dma_semaphore, #tpu.memory_space<semaphore_mem>>) src(%dma_wait3A_528 : memref<43x16x128xbf16, #tpu.memory_space<vmem_shared>>) dst(%dma_wait3A_523 : memref<43x16x128xbf16, #tpu.memory_space<hbm>>)
    %add3A_529 = arith.constant 602 : i32
    %add3A_530 = arith.addi %mul3A_0, %add3A_529 : i32
    %dma_start3A_531 = arith.constant 0 : i32
    %dma_start3A_532 = arith.constant 0 : i32
    %dma_start3A_533 = arith.constant 0 : i32
    %dma_start3A_534 = tpu.memref_slice %arg4[%arg1, %dma_start3A_531, %dma_start3A_532, %dma_start3A_533] : memref<16x43x16x128xbf16, #tpu.memory_space<vmem_shared>> -> memref<1x43x16x128xbf16, #tpu.memory_space<vmem_shared>>
    %dma_start3A_535 = tpu.memref_squeeze %dma_start3A_534 : memref<1x43x16x128xbf16, #tpu.memory_space<vmem_shared>> -> memref<43x16x128xbf16, #tpu.memory_space<vmem_shared>>
    %dma_start3A_536 = arith.constant 0 : i32
    %dma_start3A_537 = arith.constant 0 : i32
    %dma_start3A_538 = tpu.memref_slice %arg2[%arg1, %add3A_530, %dma_start3A_536, %dma_start3A_537] : memref<16x4096x16x128xbf16, #tpu.memory_space<hbm>> -> memref<1x43x16x128xbf16, #tpu.memory_space<hbm>>
    %dma_start3A_539 = tpu.memref_squeeze %dma_start3A_538 : memref<1x43x16x128xbf16, #tpu.memory_space<hbm>> -> memref<43x16x128xbf16, #tpu.memory_space<hbm>>
    tpu.enqueue_dma source(%dma_start3A_539 : memref<43x16x128xbf16, #tpu.memory_space<hbm>>) target(%dma_start3A_535 : memref<43x16x128xbf16, #tpu.memory_space<vmem_shared>>) target_semaphore(%arg6 : memref<!tpu.dma_semaphore, #tpu.memory_space<semaphore_mem>>)
    %dma_wait3A_540 = arith.constant 0 : i32
    %dma_wait3A_541 = arith.constant 0 : i32
    %dma_wait3A_542 = arith.constant 0 : i32
    %dma_wait3A_543 = tpu.memref_slice %arg5[%arg1, %dma_wait3A_540, %dma_wait3A_541, %dma_wait3A_542] : memref<16x43x16x128xbf16, #tpu.memory_space<vmem_shared>> -> memref<1x43x16x128xbf16, #tpu.memory_space<vmem_shared>>
    %dma_wait3A_544 = tpu.memref_squeeze %dma_wait3A_543 : memref<1x43x16x128xbf16, #tpu.memory_space<vmem_shared>> -> memref<43x16x128xbf16, #tpu.memory_space<vmem_shared>>
    %dma_wait3A_545 = arith.constant 0 : i32
    %dma_wait3A_546 = arith.constant 0 : i32
    %dma_wait3A_547 = tpu.memref_slice %arg2[%arg1, %add3A_490, %dma_wait3A_545, %dma_wait3A_546] : memref<16x4096x16x128xbf16, #tpu.memory_space<hbm>> -> memref<1x43x16x128xbf16, #tpu.memory_space<hbm>>
    %dma_wait3A_548 = tpu.memref_squeeze %dma_wait3A_547 : memref<1x43x16x128xbf16, #tpu.memory_space<hbm>> -> memref<43x16x128xbf16, #tpu.memory_space<hbm>>
    tpu.wait_dma2 semaphore(%arg7 : memref<!tpu.dma_semaphore, #tpu.memory_space<semaphore_mem>>) src(%dma_wait3A_548 : memref<43x16x128xbf16, #tpu.memory_space<hbm>>) dst(%dma_wait3A_544 : memref<43x16x128xbf16, #tpu.memory_space<vmem_shared>>)
    %add3A_549 = arith.constant 559 : i32
    %add3A_550 = arith.addi %mul3A_0, %add3A_549 : i32
    %dma_start3A_551 = arith.constant 0 : i32
    %dma_start3A_552 = arith.constant 0 : i32
    %dma_start3A_553 = tpu.memref_slice %arg3[%arg1, %add3A_550, %dma_start3A_551, %dma_start3A_552] : memref<16x2064x16x128xbf16, #tpu.memory_space<hbm>> -> memref<1x43x16x128xbf16, #tpu.memory_space<hbm>>
    %dma_start3A_554 = tpu.memref_squeeze %dma_start3A_553 : memref<1x43x16x128xbf16, #tpu.memory_space<hbm>> -> memref<43x16x128xbf16, #tpu.memory_space<hbm>>
    %dma_start3A_555 = arith.constant 0 : i32
    %dma_start3A_556 = arith.constant 0 : i32
    %dma_start3A_557 = arith.constant 0 : i32
    %dma_start3A_558 = tpu.memref_slice %arg5[%arg1, %dma_start3A_555, %dma_start3A_556, %dma_start3A_557] : memref<16x43x16x128xbf16, #tpu.memory_space<vmem_shared>> -> memref<1x43x16x128xbf16, #tpu.memory_space<vmem_shared>>
    %dma_start3A_559 = tpu.memref_squeeze %dma_start3A_558 : memref<1x43x16x128xbf16, #tpu.memory_space<vmem_shared>> -> memref<43x16x128xbf16, #tpu.memory_space<vmem_shared>>
    tpu.enqueue_dma source(%dma_start3A_559 : memref<43x16x128xbf16, #tpu.memory_space<vmem_shared>>) target(%dma_start3A_554 : memref<43x16x128xbf16, #tpu.memory_space<hbm>>) target_semaphore(%arg9 : memref<!tpu.dma_semaphore, #tpu.memory_space<semaphore_mem>>)
    %dma_wait3A_560 = arith.constant 0 : i32
    %dma_wait3A_561 = arith.constant 0 : i32
    %dma_wait3A_562 = tpu.memref_slice %arg3[%arg1, %add3A_550, %dma_wait3A_560, %dma_wait3A_561] : memref<16x2064x16x128xbf16, #tpu.memory_space<hbm>> -> memref<1x43x16x128xbf16, #tpu.memory_space<hbm>>
    %dma_wait3A_563 = tpu.memref_squeeze %dma_wait3A_562 : memref<1x43x16x128xbf16, #tpu.memory_space<hbm>> -> memref<43x16x128xbf16, #tpu.memory_space<hbm>>
    %dma_wait3A_564 = arith.constant 0 : i32
    %dma_wait3A_565 = arith.constant 0 : i32
    %dma_wait3A_566 = arith.constant 0 : i32
    %dma_wait3A_567 = tpu.memref_slice %arg5[%arg1, %dma_wait3A_564, %dma_wait3A_565, %dma_wait3A_566] : memref<16x43x16x128xbf16, #tpu.memory_space<vmem_shared>> -> memref<1x43x16x128xbf16, #tpu.memory_space<vmem_shared>>
    %dma_wait3A_568 = tpu.memref_squeeze %dma_wait3A_567 : memref<1x43x16x128xbf16, #tpu.memory_space<vmem_shared>> -> memref<43x16x128xbf16, #tpu.memory_space<vmem_shared>>
    tpu.wait_dma2 semaphore(%arg9 : memref<!tpu.dma_semaphore, #tpu.memory_space<semaphore_mem>>) src(%dma_wait3A_568 : memref<43x16x128xbf16, #tpu.memory_space<vmem_shared>>) dst(%dma_wait3A_563 : memref<43x16x128xbf16, #tpu.memory_space<hbm>>)
    %add3A_569 = arith.constant 645 : i32
    %add3A_570 = arith.addi %mul3A_0, %add3A_569 : i32
    %dma_start3A_571 = arith.constant 0 : i32
    %dma_start3A_572 = arith.constant 0 : i32
    %dma_start3A_573 = arith.constant 0 : i32
    %dma_start3A_574 = tpu.memref_slice %arg5[%arg1, %dma_start3A_571, %dma_start3A_572, %dma_start3A_573] : memref<16x43x16x128xbf16, #tpu.memory_space<vmem_shared>> -> memref<1x43x16x128xbf16, #tpu.memory_space<vmem_shared>>
    %dma_start3A_575 = tpu.memref_squeeze %dma_start3A_574 : memref<1x43x16x128xbf16, #tpu.memory_space<vmem_shared>> -> memref<43x16x128xbf16, #tpu.memory_space<vmem_shared>>
    %dma_start3A_576 = arith.constant 0 : i32
    %dma_start3A_577 = arith.constant 0 : i32
    %dma_start3A_578 = tpu.memref_slice %arg2[%arg1, %add3A_570, %dma_start3A_576, %dma_start3A_577] : memref<16x4096x16x128xbf16, #tpu.memory_space<hbm>> -> memref<1x43x16x128xbf16, #tpu.memory_space<hbm>>
    %dma_start3A_579 = tpu.memref_squeeze %dma_start3A_578 : memref<1x43x16x128xbf16, #tpu.memory_space<hbm>> -> memref<43x16x128xbf16, #tpu.memory_space<hbm>>
    tpu.enqueue_dma source(%dma_start3A_579 : memref<43x16x128xbf16, #tpu.memory_space<hbm>>) target(%dma_start3A_575 : memref<43x16x128xbf16, #tpu.memory_space<vmem_shared>>) target_semaphore(%arg7 : memref<!tpu.dma_semaphore, #tpu.memory_space<semaphore_mem>>)
    %dma_wait3A_580 = arith.constant 0 : i32
    %dma_wait3A_581 = arith.constant 0 : i32
    %dma_wait3A_582 = arith.constant 0 : i32
    %dma_wait3A_583 = tpu.memref_slice %arg4[%arg1, %dma_wait3A_580, %dma_wait3A_581, %dma_wait3A_582] : memref<16x43x16x128xbf16, #tpu.memory_space<vmem_shared>> -> memref<1x43x16x128xbf16, #tpu.memory_space<vmem_shared>>
    %dma_wait3A_584 = tpu.memref_squeeze %dma_wait3A_583 : memref<1x43x16x128xbf16, #tpu.memory_space<vmem_shared>> -> memref<43x16x128xbf16, #tpu.memory_space<vmem_shared>>
    %dma_wait3A_585 = arith.constant 0 : i32
    %dma_wait3A_586 = arith.constant 0 : i32
    %dma_wait3A_587 = tpu.memref_slice %arg2[%arg1, %add3A_530, %dma_wait3A_585, %dma_wait3A_586] : memref<16x4096x16x128xbf16, #tpu.memory_space<hbm>> -> memref<1x43x16x128xbf16, #tpu.memory_space<hbm>>
    %dma_wait3A_588 = tpu.memref_squeeze %dma_wait3A_587 : memref<1x43x16x128xbf16, #tpu.memory_space<hbm>> -> memref<43x16x128xbf16, #tpu.memory_space<hbm>>
    tpu.wait_dma2 semaphore(%arg6 : memref<!tpu.dma_semaphore, #tpu.memory_space<semaphore_mem>>) src(%dma_wait3A_588 : memref<43x16x128xbf16, #tpu.memory_space<hbm>>) dst(%dma_wait3A_584 : memref<43x16x128xbf16, #tpu.memory_space<vmem_shared>>)
    %add3A_589 = arith.constant 602 : i32
    %add3A_590 = arith.addi %mul3A_0, %add3A_589 : i32
    %dma_start3A_591 = arith.constant 0 : i32
    %dma_start3A_592 = arith.constant 0 : i32
    %dma_start3A_593 = tpu.memref_slice %arg3[%arg1, %add3A_590, %dma_start3A_591, %dma_start3A_592] : memref<16x2064x16x128xbf16, #tpu.memory_space<hbm>> -> memref<1x43x16x128xbf16, #tpu.memory_space<hbm>>
    %dma_start3A_594 = tpu.memref_squeeze %dma_start3A_593 : memref<1x43x16x128xbf16, #tpu.memory_space<hbm>> -> memref<43x16x128xbf16, #tpu.memory_space<hbm>>
    %dma_start3A_595 = arith.constant 0 : i32
    %dma_start3A_596 = arith.constant 0 : i32
    %dma_start3A_597 = arith.constant 0 : i32
    %dma_start3A_598 = tpu.memref_slice %arg4[%arg1, %dma_start3A_595, %dma_start3A_596, %dma_start3A_597] : memref<16x43x16x128xbf16, #tpu.memory_space<vmem_shared>> -> memref<1x43x16x128xbf16, #tpu.memory_space<vmem_shared>>
    %dma_start3A_599 = tpu.memref_squeeze %dma_start3A_598 : memref<1x43x16x128xbf16, #tpu.memory_space<vmem_shared>> -> memref<43x16x128xbf16, #tpu.memory_space<vmem_shared>>
    tpu.enqueue_dma source(%dma_start3A_599 : memref<43x16x128xbf16, #tpu.memory_space<vmem_shared>>) target(%dma_start3A_594 : memref<43x16x128xbf16, #tpu.memory_space<hbm>>) target_semaphore(%arg8 : memref<!tpu.dma_semaphore, #tpu.memory_space<semaphore_mem>>)
    %dma_wait3A_600 = arith.constant 0 : i32
    %dma_wait3A_601 = arith.constant 0 : i32
    %dma_wait3A_602 = tpu.memref_slice %arg3[%arg1, %add3A_590, %dma_wait3A_600, %dma_wait3A_601] : memref<16x2064x16x128xbf16, #tpu.memory_space<hbm>> -> memref<1x43x16x128xbf16, #tpu.memory_space<hbm>>
    %dma_wait3A_603 = tpu.memref_squeeze %dma_wait3A_602 : memref<1x43x16x128xbf16, #tpu.memory_space<hbm>> -> memref<43x16x128xbf16, #tpu.memory_space<hbm>>
    %dma_wait3A_604 = arith.constant 0 : i32
    %dma_wait3A_605 = arith.constant 0 : i32
    %dma_wait3A_606 = arith.constant 0 : i32
    %dma_wait3A_607 = tpu.memref_slice %arg4[%arg1, %dma_wait3A_604, %dma_wait3A_605, %dma_wait3A_606] : memref<16x43x16x128xbf16, #tpu.memory_space<vmem_shared>> -> memref<1x43x16x128xbf16, #tpu.memory_space<vmem_shared>>
    %dma_wait3A_608 = tpu.memref_squeeze %dma_wait3A_607 : memref<1x43x16x128xbf16, #tpu.memory_space<vmem_shared>> -> memref<43x16x128xbf16, #tpu.memory_space<vmem_shared>>
    tpu.wait_dma2 semaphore(%arg8 : memref<!tpu.dma_semaphore, #tpu.memory_space<semaphore_mem>>) src(%dma_wait3A_608 : memref<43x16x128xbf16, #tpu.memory_space<vmem_shared>>) dst(%dma_wait3A_603 : memref<43x16x128xbf16, #tpu.memory_space<hbm>>)
    %add3A_609 = arith.constant 688 : i32
    %add3A_610 = arith.addi %mul3A_0, %add3A_609 : i32
    %dma_start3A_611 = arith.constant 0 : i32
    %dma_start3A_612 = arith.constant 0 : i32
    %dma_start3A_613 = arith.constant 0 : i32
    %dma_start3A_614 = tpu.memref_slice %arg4[%arg1, %dma_start3A_611, %dma_start3A_612, %dma_start3A_613] : memref<16x43x16x128xbf16, #tpu.memory_space<vmem_shared>> -> memref<1x43x16x128xbf16, #tpu.memory_space<vmem_shared>>
    %dma_start3A_615 = tpu.memref_squeeze %dma_start3A_614 : memref<1x43x16x128xbf16, #tpu.memory_space<vmem_shared>> -> memref<43x16x128xbf16, #tpu.memory_space<vmem_shared>>
    %dma_start3A_616 = arith.constant 0 : i32
    %dma_start3A_617 = arith.constant 0 : i32
    %dma_start3A_618 = tpu.memref_slice %arg2[%arg1, %add3A_610, %dma_start3A_616, %dma_start3A_617] : memref<16x4096x16x128xbf16, #tpu.memory_space<hbm>> -> memref<1x43x16x128xbf16, #tpu.memory_space<hbm>>
    %dma_start3A_619 = tpu.memref_squeeze %dma_start3A_618 : memref<1x43x16x128xbf16, #tpu.memory_space<hbm>> -> memref<43x16x128xbf16, #tpu.memory_space<hbm>>
    tpu.enqueue_dma source(%dma_start3A_619 : memref<43x16x128xbf16, #tpu.memory_space<hbm>>) target(%dma_start3A_615 : memref<43x16x128xbf16, #tpu.memory_space<vmem_shared>>) target_semaphore(%arg6 : memref<!tpu.dma_semaphore, #tpu.memory_space<semaphore_mem>>)
    %dma_wait3A_620 = arith.constant 0 : i32
    %dma_wait3A_621 = arith.constant 0 : i32
    %dma_wait3A_622 = arith.constant 0 : i32
    %dma_wait3A_623 = tpu.memref_slice %arg5[%arg1, %dma_wait3A_620, %dma_wait3A_621, %dma_wait3A_622] : memref<16x43x16x128xbf16, #tpu.memory_space<vmem_shared>> -> memref<1x43x16x128xbf16, #tpu.memory_space<vmem_shared>>
    %dma_wait3A_624 = tpu.memref_squeeze %dma_wait3A_623 : memref<1x43x16x128xbf16, #tpu.memory_space<vmem_shared>> -> memref<43x16x128xbf16, #tpu.memory_space<vmem_shared>>
    %dma_wait3A_625 = arith.constant 0 : i32
    %dma_wait3A_626 = arith.constant 0 : i32
    %dma_wait3A_627 = tpu.memref_slice %arg2[%arg1, %add3A_570, %dma_wait3A_625, %dma_wait3A_626] : memref<16x4096x16x128xbf16, #tpu.memory_space<hbm>> -> memref<1x43x16x128xbf16, #tpu.memory_space<hbm>>
    %dma_wait3A_628 = tpu.memref_squeeze %dma_wait3A_627 : memref<1x43x16x128xbf16, #tpu.memory_space<hbm>> -> memref<43x16x128xbf16, #tpu.memory_space<hbm>>
    tpu.wait_dma2 semaphore(%arg7 : memref<!tpu.dma_semaphore, #tpu.memory_space<semaphore_mem>>) src(%dma_wait3A_628 : memref<43x16x128xbf16, #tpu.memory_space<hbm>>) dst(%dma_wait3A_624 : memref<43x16x128xbf16, #tpu.memory_space<vmem_shared>>)
    %add3A_629 = arith.constant 645 : i32
    %add3A_630 = arith.addi %mul3A_0, %add3A_629 : i32
    %dma_start3A_631 = arith.constant 0 : i32
    %dma_start3A_632 = arith.constant 0 : i32
    %dma_start3A_633 = tpu.memref_slice %arg3[%arg1, %add3A_630, %dma_start3A_631, %dma_start3A_632] : memref<16x2064x16x128xbf16, #tpu.memory_space<hbm>> -> memref<1x43x16x128xbf16, #tpu.memory_space<hbm>>
    %dma_start3A_634 = tpu.memref_squeeze %dma_start3A_633 : memref<1x43x16x128xbf16, #tpu.memory_space<hbm>> -> memref<43x16x128xbf16, #tpu.memory_space<hbm>>
    %dma_start3A_635 = arith.constant 0 : i32
    %dma_start3A_636 = arith.constant 0 : i32
    %dma_start3A_637 = arith.constant 0 : i32
    %dma_start3A_638 = tpu.memref_slice %arg5[%arg1, %dma_start3A_635, %dma_start3A_636, %dma_start3A_637] : memref<16x43x16x128xbf16, #tpu.memory_space<vmem_shared>> -> memref<1x43x16x128xbf16, #tpu.memory_space<vmem_shared>>
    %dma_start3A_639 = tpu.memref_squeeze %dma_start3A_638 : memref<1x43x16x128xbf16, #tpu.memory_space<vmem_shared>> -> memref<43x16x128xbf16, #tpu.memory_space<vmem_shared>>
    tpu.enqueue_dma source(%dma_start3A_639 : memref<43x16x128xbf16, #tpu.memory_space<vmem_shared>>) target(%dma_start3A_634 : memref<43x16x128xbf16, #tpu.memory_space<hbm>>) target_semaphore(%arg9 : memref<!tpu.dma_semaphore, #tpu.memory_space<semaphore_mem>>)
    %dma_wait3A_640 = arith.constant 0 : i32
    %dma_wait3A_641 = arith.constant 0 : i32
    %dma_wait3A_642 = tpu.memref_slice %arg3[%arg1, %add3A_630, %dma_wait3A_640, %dma_wait3A_641] : memref<16x2064x16x128xbf16, #tpu.memory_space<hbm>> -> memref<1x43x16x128xbf16, #tpu.memory_space<hbm>>
    %dma_wait3A_643 = tpu.memref_squeeze %dma_wait3A_642 : memref<1x43x16x128xbf16, #tpu.memory_space<hbm>> -> memref<43x16x128xbf16, #tpu.memory_space<hbm>>
    %dma_wait3A_644 = arith.constant 0 : i32
    %dma_wait3A_645 = arith.constant 0 : i32
    %dma_wait3A_646 = arith.constant 0 : i32
    %dma_wait3A_647 = tpu.memref_slice %arg5[%arg1, %dma_wait3A_644, %dma_wait3A_645, %dma_wait3A_646] : memref<16x43x16x128xbf16, #tpu.memory_space<vmem_shared>> -> memref<1x43x16x128xbf16, #tpu.memory_space<vmem_shared>>
    %dma_wait3A_648 = tpu.memref_squeeze %dma_wait3A_647 : memref<1x43x16x128xbf16, #tpu.memory_space<vmem_shared>> -> memref<43x16x128xbf16, #tpu.memory_space<vmem_shared>>
    tpu.wait_dma2 semaphore(%arg9 : memref<!tpu.dma_semaphore, #tpu.memory_space<semaphore_mem>>) src(%dma_wait3A_648 : memref<43x16x128xbf16, #tpu.memory_space<vmem_shared>>) dst(%dma_wait3A_643 : memref<43x16x128xbf16, #tpu.memory_space<hbm>>)
    %add3A_649 = arith.constant 731 : i32
    %add3A_650 = arith.addi %mul3A_0, %add3A_649 : i32
    %dma_start3A_651 = arith.constant 0 : i32
    %dma_start3A_652 = arith.constant 0 : i32
    %dma_start3A_653 = arith.constant 0 : i32
    %dma_start3A_654 = tpu.memref_slice %arg5[%arg1, %dma_start3A_651, %dma_start3A_652, %dma_start3A_653] : memref<16x43x16x128xbf16, #tpu.memory_space<vmem_shared>> -> memref<1x43x16x128xbf16, #tpu.memory_space<vmem_shared>>
    %dma_start3A_655 = tpu.memref_squeeze %dma_start3A_654 : memref<1x43x16x128xbf16, #tpu.memory_space<vmem_shared>> -> memref<43x16x128xbf16, #tpu.memory_space<vmem_shared>>
    %dma_start3A_656 = arith.constant 0 : i32
    %dma_start3A_657 = arith.constant 0 : i32
    %dma_start3A_658 = tpu.memref_slice %arg2[%arg1, %add3A_650, %dma_start3A_656, %dma_start3A_657] : memref<16x4096x16x128xbf16, #tpu.memory_space<hbm>> -> memref<1x43x16x128xbf16, #tpu.memory_space<hbm>>
    %dma_start3A_659 = tpu.memref_squeeze %dma_start3A_658 : memref<1x43x16x128xbf16, #tpu.memory_space<hbm>> -> memref<43x16x128xbf16, #tpu.memory_space<hbm>>
    tpu.enqueue_dma source(%dma_start3A_659 : memref<43x16x128xbf16, #tpu.memory_space<hbm>>) target(%dma_start3A_655 : memref<43x16x128xbf16, #tpu.memory_space<vmem_shared>>) target_semaphore(%arg7 : memref<!tpu.dma_semaphore, #tpu.memory_space<semaphore_mem>>)
    %dma_wait3A_660 = arith.constant 0 : i32
    %dma_wait3A_661 = arith.constant 0 : i32
    %dma_wait3A_662 = arith.constant 0 : i32
    %dma_wait3A_663 = tpu.memref_slice %arg4[%arg1, %dma_wait3A_660, %dma_wait3A_661, %dma_wait3A_662] : memref<16x43x16x128xbf16, #tpu.memory_space<vmem_shared>> -> memref<1x43x16x128xbf16, #tpu.memory_space<vmem_shared>>
    %dma_wait3A_664 = tpu.memref_squeeze %dma_wait3A_663 : memref<1x43x16x128xbf16, #tpu.memory_space<vmem_shared>> -> memref<43x16x128xbf16, #tpu.memory_space<vmem_shared>>
    %dma_wait3A_665 = arith.constant 0 : i32
    %dma_wait3A_666 = arith.constant 0 : i32
    %dma_wait3A_667 = tpu.memref_slice %arg2[%arg1, %add3A_610, %dma_wait3A_665, %dma_wait3A_666] : memref<16x4096x16x128xbf16, #tpu.memory_space<hbm>> -> memref<1x43x16x128xbf16, #tpu.memory_space<hbm>>
    %dma_wait3A_668 = tpu.memref_squeeze %dma_wait3A_667 : memref<1x43x16x128xbf16, #tpu.memory_space<hbm>> -> memref<43x16x128xbf16, #tpu.memory_space<hbm>>
    tpu.wait_dma2 semaphore(%arg6 : memref<!tpu.dma_semaphore, #tpu.memory_space<semaphore_mem>>) src(%dma_wait3A_668 : memref<43x16x128xbf16, #tpu.memory_space<hbm>>) dst(%dma_wait3A_664 : memref<43x16x128xbf16, #tpu.memory_space<vmem_shared>>)
    %add3A_669 = arith.constant 688 : i32
    %add3A_670 = arith.addi %mul3A_0, %add3A_669 : i32
    %dma_start3A_671 = arith.constant 0 : i32
    %dma_start3A_672 = arith.constant 0 : i32
    %dma_start3A_673 = tpu.memref_slice %arg3[%arg1, %add3A_670, %dma_start3A_671, %dma_start3A_672] : memref<16x2064x16x128xbf16, #tpu.memory_space<hbm>> -> memref<1x43x16x128xbf16, #tpu.memory_space<hbm>>
    %dma_start3A_674 = tpu.memref_squeeze %dma_start3A_673 : memref<1x43x16x128xbf16, #tpu.memory_space<hbm>> -> memref<43x16x128xbf16, #tpu.memory_space<hbm>>
    %dma_start3A_675 = arith.constant 0 : i32
    %dma_start3A_676 = arith.constant 0 : i32
    %dma_start3A_677 = arith.constant 0 : i32
    %dma_start3A_678 = tpu.memref_slice %arg4[%arg1, %dma_start3A_675, %dma_start3A_676, %dma_start3A_677] : memref<16x43x16x128xbf16, #tpu.memory_space<vmem_shared>> -> memref<1x43x16x128xbf16, #tpu.memory_space<vmem_shared>>
    %dma_start3A_679 = tpu.memref_squeeze %dma_start3A_678 : memref<1x43x16x128xbf16, #tpu.memory_space<vmem_shared>> -> memref<43x16x128xbf16, #tpu.memory_space<vmem_shared>>
    tpu.enqueue_dma source(%dma_start3A_679 : memref<43x16x128xbf16, #tpu.memory_space<vmem_shared>>) target(%dma_start3A_674 : memref<43x16x128xbf16, #tpu.memory_space<hbm>>) target_semaphore(%arg8 : memref<!tpu.dma_semaphore, #tpu.memory_space<semaphore_mem>>)
    %dma_wait3A_680 = arith.constant 0 : i32
    %dma_wait3A_681 = arith.constant 0 : i32
    %dma_wait3A_682 = tpu.memref_slice %arg3[%arg1, %add3A_670, %dma_wait3A_680, %dma_wait3A_681] : memref<16x2064x16x128xbf16, #tpu.memory_space<hbm>> -> memref<1x43x16x128xbf16, #tpu.memory_space<hbm>>
    %dma_wait3A_683 = tpu.memref_squeeze %dma_wait3A_682 : memref<1x43x16x128xbf16, #tpu.memory_space<hbm>> -> memref<43x16x128xbf16, #tpu.memory_space<hbm>>
    %dma_wait3A_684 = arith.constant 0 : i32
    %dma_wait3A_685 = arith.constant 0 : i32
    %dma_wait3A_686 = arith.constant 0 : i32
    %dma_wait3A_687 = tpu.memref_slice %arg4[%arg1, %dma_wait3A_684, %dma_wait3A_685, %dma_wait3A_686] : memref<16x43x16x128xbf16, #tpu.memory_space<vmem_shared>> -> memref<1x43x16x128xbf16, #tpu.memory_space<vmem_shared>>
    %dma_wait3A_688 = tpu.memref_squeeze %dma_wait3A_687 : memref<1x43x16x128xbf16, #tpu.memory_space<vmem_shared>> -> memref<43x16x128xbf16, #tpu.memory_space<vmem_shared>>
    tpu.wait_dma2 semaphore(%arg8 : memref<!tpu.dma_semaphore, #tpu.memory_space<semaphore_mem>>) src(%dma_wait3A_688 : memref<43x16x128xbf16, #tpu.memory_space<vmem_shared>>) dst(%dma_wait3A_683 : memref<43x16x128xbf16, #tpu.memory_space<hbm>>)
    %add3A_689 = arith.constant 774 : i32
    %add3A_690 = arith.addi %mul3A_0, %add3A_689 : i32
    %dma_start3A_691 = arith.constant 0 : i32
    %dma_start3A_692 = arith.constant 0 : i32
    %dma_start3A_693 = arith.constant 0 : i32
    %dma_start3A_694 = tpu.memref_slice %arg4[%arg1, %dma_start3A_691, %dma_start3A_692, %dma_start3A_693] : memref<16x43x16x128xbf16, #tpu.memory_space<vmem_shared>> -> memref<1x43x16x128xbf16, #tpu.memory_space<vmem_shared>>
    %dma_start3A_695 = tpu.memref_squeeze %dma_start3A_694 : memref<1x43x16x128xbf16, #tpu.memory_space<vmem_shared>> -> memref<43x16x128xbf16, #tpu.memory_space<vmem_shared>>
    %dma_start3A_696 = arith.constant 0 : i32
    %dma_start3A_697 = arith.constant 0 : i32
    %dma_start3A_698 = tpu.memref_slice %arg2[%arg1, %add3A_690, %dma_start3A_696, %dma_start3A_697] : memref<16x4096x16x128xbf16, #tpu.memory_space<hbm>> -> memref<1x43x16x128xbf16, #tpu.memory_space<hbm>>
    %dma_start3A_699 = tpu.memref_squeeze %dma_start3A_698 : memref<1x43x16x128xbf16, #tpu.memory_space<hbm>> -> memref<43x16x128xbf16, #tpu.memory_space<hbm>>
    tpu.enqueue_dma source(%dma_start3A_699 : memref<43x16x128xbf16, #tpu.memory_space<hbm>>) target(%dma_start3A_695 : memref<43x16x128xbf16, #tpu.memory_space<vmem_shared>>) target_semaphore(%arg6 : memref<!tpu.dma_semaphore, #tpu.memory_space<semaphore_mem>>)
    %dma_wait3A_700 = arith.constant 0 : i32
    %dma_wait3A_701 = arith.constant 0 : i32
    %dma_wait3A_702 = arith.constant 0 : i32
    %dma_wait3A_703 = tpu.memref_slice %arg5[%arg1, %dma_wait3A_700, %dma_wait3A_701, %dma_wait3A_702] : memref<16x43x16x128xbf16, #tpu.memory_space<vmem_shared>> -> memref<1x43x16x128xbf16, #tpu.memory_space<vmem_shared>>
    %dma_wait3A_704 = tpu.memref_squeeze %dma_wait3A_703 : memref<1x43x16x128xbf16, #tpu.memory_space<vmem_shared>> -> memref<43x16x128xbf16, #tpu.memory_space<vmem_shared>>
    %dma_wait3A_705 = arith.constant 0 : i32
    %dma_wait3A_706 = arith.constant 0 : i32
    %dma_wait3A_707 = tpu.memref_slice %arg2[%arg1, %add3A_650, %dma_wait3A_705, %dma_wait3A_706] : memref<16x4096x16x128xbf16, #tpu.memory_space<hbm>> -> memref<1x43x16x128xbf16, #tpu.memory_space<hbm>>
    %dma_wait3A_708 = tpu.memref_squeeze %dma_wait3A_707 : memref<1x43x16x128xbf16, #tpu.memory_space<hbm>> -> memref<43x16x128xbf16, #tpu.memory_space<hbm>>
    tpu.wait_dma2 semaphore(%arg7 : memref<!tpu.dma_semaphore, #tpu.memory_space<semaphore_mem>>) src(%dma_wait3A_708 : memref<43x16x128xbf16, #tpu.memory_space<hbm>>) dst(%dma_wait3A_704 : memref<43x16x128xbf16, #tpu.memory_space<vmem_shared>>)
    %add3A_709 = arith.constant 731 : i32
    %add3A_710 = arith.addi %mul3A_0, %add3A_709 : i32
    %dma_start3A_711 = arith.constant 0 : i32
    %dma_start3A_712 = arith.constant 0 : i32
    %dma_start3A_713 = tpu.memref_slice %arg3[%arg1, %add3A_710, %dma_start3A_711, %dma_start3A_712] : memref<16x2064x16x128xbf16, #tpu.memory_space<hbm>> -> memref<1x43x16x128xbf16, #tpu.memory_space<hbm>>
    %dma_start3A_714 = tpu.memref_squeeze %dma_start3A_713 : memref<1x43x16x128xbf16, #tpu.memory_space<hbm>> -> memref<43x16x128xbf16, #tpu.memory_space<hbm>>
    %dma_start3A_715 = arith.constant 0 : i32
    %dma_start3A_716 = arith.constant 0 : i32
    %dma_start3A_717 = arith.constant 0 : i32
    %dma_start3A_718 = tpu.memref_slice %arg5[%arg1, %dma_start3A_715, %dma_start3A_716, %dma_start3A_717] : memref<16x43x16x128xbf16, #tpu.memory_space<vmem_shared>> -> memref<1x43x16x128xbf16, #tpu.memory_space<vmem_shared>>
    %dma_start3A_719 = tpu.memref_squeeze %dma_start3A_718 : memref<1x43x16x128xbf16, #tpu.memory_space<vmem_shared>> -> memref<43x16x128xbf16, #tpu.memory_space<vmem_shared>>
    tpu.enqueue_dma source(%dma_start3A_719 : memref<43x16x128xbf16, #tpu.memory_space<vmem_shared>>) target(%dma_start3A_714 : memref<43x16x128xbf16, #tpu.memory_space<hbm>>) target_semaphore(%arg9 : memref<!tpu.dma_semaphore, #tpu.memory_space<semaphore_mem>>)
    %dma_wait3A_720 = arith.constant 0 : i32
    %dma_wait3A_721 = arith.constant 0 : i32
    %dma_wait3A_722 = tpu.memref_slice %arg3[%arg1, %add3A_710, %dma_wait3A_720, %dma_wait3A_721] : memref<16x2064x16x128xbf16, #tpu.memory_space<hbm>> -> memref<1x43x16x128xbf16, #tpu.memory_space<hbm>>
    %dma_wait3A_723 = tpu.memref_squeeze %dma_wait3A_722 : memref<1x43x16x128xbf16, #tpu.memory_space<hbm>> -> memref<43x16x128xbf16, #tpu.memory_space<hbm>>
    %dma_wait3A_724 = arith.constant 0 : i32
    %dma_wait3A_725 = arith.constant 0 : i32
    %dma_wait3A_726 = arith.constant 0 : i32
    %dma_wait3A_727 = tpu.memref_slice %arg5[%arg1, %dma_wait3A_724, %dma_wait3A_725, %dma_wait3A_726] : memref<16x43x16x128xbf16, #tpu.memory_space<vmem_shared>> -> memref<1x43x16x128xbf16, #tpu.memory_space<vmem_shared>>
    %dma_wait3A_728 = tpu.memref_squeeze %dma_wait3A_727 : memref<1x43x16x128xbf16, #tpu.memory_space<vmem_shared>> -> memref<43x16x128xbf16, #tpu.memory_space<vmem_shared>>
    tpu.wait_dma2 semaphore(%arg9 : memref<!tpu.dma_semaphore, #tpu.memory_space<semaphore_mem>>) src(%dma_wait3A_728 : memref<43x16x128xbf16, #tpu.memory_space<vmem_shared>>) dst(%dma_wait3A_723 : memref<43x16x128xbf16, #tpu.memory_space<hbm>>)
    %add3A_729 = arith.constant 817 : i32
    %add3A_730 = arith.addi %mul3A_0, %add3A_729 : i32
    %dma_start3A_731 = arith.constant 0 : i32
    %dma_start3A_732 = arith.constant 0 : i32
    %dma_start3A_733 = arith.constant 0 : i32
    %dma_start3A_734 = tpu.memref_slice %arg5[%arg1, %dma_start3A_731, %dma_start3A_732, %dma_start3A_733] : memref<16x43x16x128xbf16, #tpu.memory_space<vmem_shared>> -> memref<1x43x16x128xbf16, #tpu.memory_space<vmem_shared>>
    %dma_start3A_735 = tpu.memref_squeeze %dma_start3A_734 : memref<1x43x16x128xbf16, #tpu.memory_space<vmem_shared>> -> memref<43x16x128xbf16, #tpu.memory_space<vmem_shared>>
    %dma_start3A_736 = arith.constant 0 : i32
    %dma_start3A_737 = arith.constant 0 : i32
    %dma_start3A_738 = tpu.memref_slice %arg2[%arg1, %add3A_730, %dma_start3A_736, %dma_start3A_737] : memref<16x4096x16x128xbf16, #tpu.memory_space<hbm>> -> memref<1x43x16x128xbf16, #tpu.memory_space<hbm>>
    %dma_start3A_739 = tpu.memref_squeeze %dma_start3A_738 : memref<1x43x16x128xbf16, #tpu.memory_space<hbm>> -> memref<43x16x128xbf16, #tpu.memory_space<hbm>>
    tpu.enqueue_dma source(%dma_start3A_739 : memref<43x16x128xbf16, #tpu.memory_space<hbm>>) target(%dma_start3A_735 : memref<43x16x128xbf16, #tpu.memory_space<vmem_shared>>) target_semaphore(%arg7 : memref<!tpu.dma_semaphore, #tpu.memory_space<semaphore_mem>>)
    %dma_wait3A_740 = arith.constant 0 : i32
    %dma_wait3A_741 = arith.constant 0 : i32
    %dma_wait3A_742 = arith.constant 0 : i32
    %dma_wait3A_743 = tpu.memref_slice %arg4[%arg1, %dma_wait3A_740, %dma_wait3A_741, %dma_wait3A_742] : memref<16x43x16x128xbf16, #tpu.memory_space<vmem_shared>> -> memref<1x43x16x128xbf16, #tpu.memory_space<vmem_shared>>
    %dma_wait3A_744 = tpu.memref_squeeze %dma_wait3A_743 : memref<1x43x16x128xbf16, #tpu.memory_space<vmem_shared>> -> memref<43x16x128xbf16, #tpu.memory_space<vmem_shared>>
    %dma_wait3A_745 = arith.constant 0 : i32
    %dma_wait3A_746 = arith.constant 0 : i32
    %dma_wait3A_747 = tpu.memref_slice %arg2[%arg1, %add3A_690, %dma_wait3A_745, %dma_wait3A_746] : memref<16x4096x16x128xbf16, #tpu.memory_space<hbm>> -> memref<1x43x16x128xbf16, #tpu.memory_space<hbm>>
    %dma_wait3A_748 = tpu.memref_squeeze %dma_wait3A_747 : memref<1x43x16x128xbf16, #tpu.memory_space<hbm>> -> memref<43x16x128xbf16, #tpu.memory_space<hbm>>
    tpu.wait_dma2 semaphore(%arg6 : memref<!tpu.dma_semaphore, #tpu.memory_space<semaphore_mem>>) src(%dma_wait3A_748 : memref<43x16x128xbf16, #tpu.memory_space<hbm>>) dst(%dma_wait3A_744 : memref<43x16x128xbf16, #tpu.memory_space<vmem_shared>>)
    %add3A_749 = arith.constant 774 : i32
    %add3A_750 = arith.addi %mul3A_0, %add3A_749 : i32
    %dma_start3A_751 = arith.constant 0 : i32
    %dma_start3A_752 = arith.constant 0 : i32
    %dma_start3A_753 = tpu.memref_slice %arg3[%arg1, %add3A_750, %dma_start3A_751, %dma_start3A_752] : memref<16x2064x16x128xbf16, #tpu.memory_space<hbm>> -> memref<1x43x16x128xbf16, #tpu.memory_space<hbm>>
    %dma_start3A_754 = tpu.memref_squeeze %dma_start3A_753 : memref<1x43x16x128xbf16, #tpu.memory_space<hbm>> -> memref<43x16x128xbf16, #tpu.memory_space<hbm>>
    %dma_start3A_755 = arith.constant 0 : i32
    %dma_start3A_756 = arith.constant 0 : i32
    %dma_start3A_757 = arith.constant 0 : i32
    %dma_start3A_758 = tpu.memref_slice %arg4[%arg1, %dma_start3A_755, %dma_start3A_756, %dma_start3A_757] : memref<16x43x16x128xbf16, #tpu.memory_space<vmem_shared>> -> memref<1x43x16x128xbf16, #tpu.memory_space<vmem_shared>>
    %dma_start3A_759 = tpu.memref_squeeze %dma_start3A_758 : memref<1x43x16x128xbf16, #tpu.memory_space<vmem_shared>> -> memref<43x16x128xbf16, #tpu.memory_space<vmem_shared>>
    tpu.enqueue_dma source(%dma_start3A_759 : memref<43x16x128xbf16, #tpu.memory_space<vmem_shared>>) target(%dma_start3A_754 : memref<43x16x128xbf16, #tpu.memory_space<hbm>>) target_semaphore(%arg8 : memref<!tpu.dma_semaphore, #tpu.memory_space<semaphore_mem>>)
    %dma_wait3A_760 = arith.constant 0 : i32
    %dma_wait3A_761 = arith.constant 0 : i32
    %dma_wait3A_762 = tpu.memref_slice %arg3[%arg1, %add3A_750, %dma_wait3A_760, %dma_wait3A_761] : memref<16x2064x16x128xbf16, #tpu.memory_space<hbm>> -> memref<1x43x16x128xbf16, #tpu.memory_space<hbm>>
    %dma_wait3A_763 = tpu.memref_squeeze %dma_wait3A_762 : memref<1x43x16x128xbf16, #tpu.memory_space<hbm>> -> memref<43x16x128xbf16, #tpu.memory_space<hbm>>
    %dma_wait3A_764 = arith.constant 0 : i32
    %dma_wait3A_765 = arith.constant 0 : i32
    %dma_wait3A_766 = arith.constant 0 : i32
    %dma_wait3A_767 = tpu.memref_slice %arg4[%arg1, %dma_wait3A_764, %dma_wait3A_765, %dma_wait3A_766] : memref<16x43x16x128xbf16, #tpu.memory_space<vmem_shared>> -> memref<1x43x16x128xbf16, #tpu.memory_space<vmem_shared>>
    %dma_wait3A_768 = tpu.memref_squeeze %dma_wait3A_767 : memref<1x43x16x128xbf16, #tpu.memory_space<vmem_shared>> -> memref<43x16x128xbf16, #tpu.memory_space<vmem_shared>>
    tpu.wait_dma2 semaphore(%arg8 : memref<!tpu.dma_semaphore, #tpu.memory_space<semaphore_mem>>) src(%dma_wait3A_768 : memref<43x16x128xbf16, #tpu.memory_space<vmem_shared>>) dst(%dma_wait3A_763 : memref<43x16x128xbf16, #tpu.memory_space<hbm>>)
    %add3A_769 = arith.constant 860 : i32
    %add3A_770 = arith.addi %mul3A_0, %add3A_769 : i32
    %dma_start3A_771 = arith.constant 0 : i32
    %dma_start3A_772 = arith.constant 0 : i32
    %dma_start3A_773 = arith.constant 0 : i32
    %dma_start3A_774 = tpu.memref_slice %arg4[%arg1, %dma_start3A_771, %dma_start3A_772, %dma_start3A_773] : memref<16x43x16x128xbf16, #tpu.memory_space<vmem_shared>> -> memref<1x43x16x128xbf16, #tpu.memory_space<vmem_shared>>
    %dma_start3A_775 = tpu.memref_squeeze %dma_start3A_774 : memref<1x43x16x128xbf16, #tpu.memory_space<vmem_shared>> -> memref<43x16x128xbf16, #tpu.memory_space<vmem_shared>>
    %dma_start3A_776 = arith.constant 0 : i32
    %dma_start3A_777 = arith.constant 0 : i32
    %dma_start3A_778 = tpu.memref_slice %arg2[%arg1, %add3A_770, %dma_start3A_776, %dma_start3A_777] : memref<16x4096x16x128xbf16, #tpu.memory_space<hbm>> -> memref<1x43x16x128xbf16, #tpu.memory_space<hbm>>
    %dma_start3A_779 = tpu.memref_squeeze %dma_start3A_778 : memref<1x43x16x128xbf16, #tpu.memory_space<hbm>> -> memref<43x16x128xbf16, #tpu.memory_space<hbm>>
    tpu.enqueue_dma source(%dma_start3A_779 : memref<43x16x128xbf16, #tpu.memory_space<hbm>>) target(%dma_start3A_775 : memref<43x16x128xbf16, #tpu.memory_space<vmem_shared>>) target_semaphore(%arg6 : memref<!tpu.dma_semaphore, #tpu.memory_space<semaphore_mem>>)
    %dma_wait3A_780 = arith.constant 0 : i32
    %dma_wait3A_781 = arith.constant 0 : i32
    %dma_wait3A_782 = arith.constant 0 : i32
    %dma_wait3A_783 = tpu.memref_slice %arg5[%arg1, %dma_wait3A_780, %dma_wait3A_781, %dma_wait3A_782] : memref<16x43x16x128xbf16, #tpu.memory_space<vmem_shared>> -> memref<1x43x16x128xbf16, #tpu.memory_space<vmem_shared>>
    %dma_wait3A_784 = tpu.memref_squeeze %dma_wait3A_783 : memref<1x43x16x128xbf16, #tpu.memory_space<vmem_shared>> -> memref<43x16x128xbf16, #tpu.memory_space<vmem_shared>>
    %dma_wait3A_785 = arith.constant 0 : i32
    %dma_wait3A_786 = arith.constant 0 : i32
    %dma_wait3A_787 = tpu.memref_slice %arg2[%arg1, %add3A_730, %dma_wait3A_785, %dma_wait3A_786] : memref<16x4096x16x128xbf16, #tpu.memory_space<hbm>> -> memref<1x43x16x128xbf16, #tpu.memory_space<hbm>>
    %dma_wait3A_788 = tpu.memref_squeeze %dma_wait3A_787 : memref<1x43x16x128xbf16, #tpu.memory_space<hbm>> -> memref<43x16x128xbf16, #tpu.memory_space<hbm>>
    tpu.wait_dma2 semaphore(%arg7 : memref<!tpu.dma_semaphore, #tpu.memory_space<semaphore_mem>>) src(%dma_wait3A_788 : memref<43x16x128xbf16, #tpu.memory_space<hbm>>) dst(%dma_wait3A_784 : memref<43x16x128xbf16, #tpu.memory_space<vmem_shared>>)
    %add3A_789 = arith.constant 817 : i32
    %add3A_790 = arith.addi %mul3A_0, %add3A_789 : i32
    %dma_start3A_791 = arith.constant 0 : i32
    %dma_start3A_792 = arith.constant 0 : i32
    %dma_start3A_793 = tpu.memref_slice %arg3[%arg1, %add3A_790, %dma_start3A_791, %dma_start3A_792] : memref<16x2064x16x128xbf16, #tpu.memory_space<hbm>> -> memref<1x43x16x128xbf16, #tpu.memory_space<hbm>>
    %dma_start3A_794 = tpu.memref_squeeze %dma_start3A_793 : memref<1x43x16x128xbf16, #tpu.memory_space<hbm>> -> memref<43x16x128xbf16, #tpu.memory_space<hbm>>
    %dma_start3A_795 = arith.constant 0 : i32
    %dma_start3A_796 = arith.constant 0 : i32
    %dma_start3A_797 = arith.constant 0 : i32
    %dma_start3A_798 = tpu.memref_slice %arg5[%arg1, %dma_start3A_795, %dma_start3A_796, %dma_start3A_797] : memref<16x43x16x128xbf16, #tpu.memory_space<vmem_shared>> -> memref<1x43x16x128xbf16, #tpu.memory_space<vmem_shared>>
    %dma_start3A_799 = tpu.memref_squeeze %dma_start3A_798 : memref<1x43x16x128xbf16, #tpu.memory_space<vmem_shared>> -> memref<43x16x128xbf16, #tpu.memory_space<vmem_shared>>
    tpu.enqueue_dma source(%dma_start3A_799 : memref<43x16x128xbf16, #tpu.memory_space<vmem_shared>>) target(%dma_start3A_794 : memref<43x16x128xbf16, #tpu.memory_space<hbm>>) target_semaphore(%arg9 : memref<!tpu.dma_semaphore, #tpu.memory_space<semaphore_mem>>)
    %dma_wait3A_800 = arith.constant 0 : i32
    %dma_wait3A_801 = arith.constant 0 : i32
    %dma_wait3A_802 = tpu.memref_slice %arg3[%arg1, %add3A_790, %dma_wait3A_800, %dma_wait3A_801] : memref<16x2064x16x128xbf16, #tpu.memory_space<hbm>> -> memref<1x43x16x128xbf16, #tpu.memory_space<hbm>>
    %dma_wait3A_803 = tpu.memref_squeeze %dma_wait3A_802 : memref<1x43x16x128xbf16, #tpu.memory_space<hbm>> -> memref<43x16x128xbf16, #tpu.memory_space<hbm>>
    %dma_wait3A_804 = arith.constant 0 : i32
    %dma_wait3A_805 = arith.constant 0 : i32
    %dma_wait3A_806 = arith.constant 0 : i32
    %dma_wait3A_807 = tpu.memref_slice %arg5[%arg1, %dma_wait3A_804, %dma_wait3A_805, %dma_wait3A_806] : memref<16x43x16x128xbf16, #tpu.memory_space<vmem_shared>> -> memref<1x43x16x128xbf16, #tpu.memory_space<vmem_shared>>
    %dma_wait3A_808 = tpu.memref_squeeze %dma_wait3A_807 : memref<1x43x16x128xbf16, #tpu.memory_space<vmem_shared>> -> memref<43x16x128xbf16, #tpu.memory_space<vmem_shared>>
    tpu.wait_dma2 semaphore(%arg9 : memref<!tpu.dma_semaphore, #tpu.memory_space<semaphore_mem>>) src(%dma_wait3A_808 : memref<43x16x128xbf16, #tpu.memory_space<vmem_shared>>) dst(%dma_wait3A_803 : memref<43x16x128xbf16, #tpu.memory_space<hbm>>)
    %add3A_809 = arith.constant 903 : i32
    %add3A_810 = arith.addi %mul3A_0, %add3A_809 : i32
    %dma_start3A_811 = arith.constant 0 : i32
    %dma_start3A_812 = arith.constant 0 : i32
    %dma_start3A_813 = arith.constant 0 : i32
    %dma_start3A_814 = tpu.memref_slice %arg5[%arg1, %dma_start3A_811, %dma_start3A_812, %dma_start3A_813] : memref<16x43x16x128xbf16, #tpu.memory_space<vmem_shared>> -> memref<1x43x16x128xbf16, #tpu.memory_space<vmem_shared>>
    %dma_start3A_815 = tpu.memref_squeeze %dma_start3A_814 : memref<1x43x16x128xbf16, #tpu.memory_space<vmem_shared>> -> memref<43x16x128xbf16, #tpu.memory_space<vmem_shared>>
    %dma_start3A_816 = arith.constant 0 : i32
    %dma_start3A_817 = arith.constant 0 : i32
    %dma_start3A_818 = tpu.memref_slice %arg2[%arg1, %add3A_810, %dma_start3A_816, %dma_start3A_817] : memref<16x4096x16x128xbf16, #tpu.memory_space<hbm>> -> memref<1x43x16x128xbf16, #tpu.memory_space<hbm>>
    %dma_start3A_819 = tpu.memref_squeeze %dma_start3A_818 : memref<1x43x16x128xbf16, #tpu.memory_space<hbm>> -> memref<43x16x128xbf16, #tpu.memory_space<hbm>>
    tpu.enqueue_dma source(%dma_start3A_819 : memref<43x16x128xbf16, #tpu.memory_space<hbm>>) target(%dma_start3A_815 : memref<43x16x128xbf16, #tpu.memory_space<vmem_shared>>) target_semaphore(%arg7 : memref<!tpu.dma_semaphore, #tpu.memory_space<semaphore_mem>>)
    %dma_wait3A_820 = arith.constant 0 : i32
    %dma_wait3A_821 = arith.constant 0 : i32
    %dma_wait3A_822 = arith.constant 0 : i32
    %dma_wait3A_823 = tpu.memref_slice %arg4[%arg1, %dma_wait3A_820, %dma_wait3A_821, %dma_wait3A_822] : memref<16x43x16x128xbf16, #tpu.memory_space<vmem_shared>> -> memref<1x43x16x128xbf16, #tpu.memory_space<vmem_shared>>
    %dma_wait3A_824 = tpu.memref_squeeze %dma_wait3A_823 : memref<1x43x16x128xbf16, #tpu.memory_space<vmem_shared>> -> memref<43x16x128xbf16, #tpu.memory_space<vmem_shared>>
    %dma_wait3A_825 = arith.constant 0 : i32
    %dma_wait3A_826 = arith.constant 0 : i32
    %dma_wait3A_827 = tpu.memref_slice %arg2[%arg1, %add3A_770, %dma_wait3A_825, %dma_wait3A_826] : memref<16x4096x16x128xbf16, #tpu.memory_space<hbm>> -> memref<1x43x16x128xbf16, #tpu.memory_space<hbm>>
    %dma_wait3A_828 = tpu.memref_squeeze %dma_wait3A_827 : memref<1x43x16x128xbf16, #tpu.memory_space<hbm>> -> memref<43x16x128xbf16, #tpu.memory_space<hbm>>
    tpu.wait_dma2 semaphore(%arg6 : memref<!tpu.dma_semaphore, #tpu.memory_space<semaphore_mem>>) src(%dma_wait3A_828 : memref<43x16x128xbf16, #tpu.memory_space<hbm>>) dst(%dma_wait3A_824 : memref<43x16x128xbf16, #tpu.memory_space<vmem_shared>>)
    %add3A_829 = arith.constant 860 : i32
    %add3A_830 = arith.addi %mul3A_0, %add3A_829 : i32
    %dma_start3A_831 = arith.constant 0 : i32
    %dma_start3A_832 = arith.constant 0 : i32
    %dma_start3A_833 = tpu.memref_slice %arg3[%arg1, %add3A_830, %dma_start3A_831, %dma_start3A_832] : memref<16x2064x16x128xbf16, #tpu.memory_space<hbm>> -> memref<1x43x16x128xbf16, #tpu.memory_space<hbm>>
    %dma_start3A_834 = tpu.memref_squeeze %dma_start3A_833 : memref<1x43x16x128xbf16, #tpu.memory_space<hbm>> -> memref<43x16x128xbf16, #tpu.memory_space<hbm>>
    %dma_start3A_835 = arith.constant 0 : i32
    %dma_start3A_836 = arith.constant 0 : i32
    %dma_start3A_837 = arith.constant 0 : i32
    %dma_start3A_838 = tpu.memref_slice %arg4[%arg1, %dma_start3A_835, %dma_start3A_836, %dma_start3A_837] : memref<16x43x16x128xbf16, #tpu.memory_space<vmem_shared>> -> memref<1x43x16x128xbf16, #tpu.memory_space<vmem_shared>>
    %dma_start3A_839 = tpu.memref_squeeze %dma_start3A_838 : memref<1x43x16x128xbf16, #tpu.memory_space<vmem_shared>> -> memref<43x16x128xbf16, #tpu.memory_space<vmem_shared>>
    tpu.enqueue_dma source(%dma_start3A_839 : memref<43x16x128xbf16, #tpu.memory_space<vmem_shared>>) target(%dma_start3A_834 : memref<43x16x128xbf16, #tpu.memory_space<hbm>>) target_semaphore(%arg8 : memref<!tpu.dma_semaphore, #tpu.memory_space<semaphore_mem>>)
    %dma_wait3A_840 = arith.constant 0 : i32
    %dma_wait3A_841 = arith.constant 0 : i32
    %dma_wait3A_842 = tpu.memref_slice %arg3[%arg1, %add3A_830, %dma_wait3A_840, %dma_wait3A_841] : memref<16x2064x16x128xbf16, #tpu.memory_space<hbm>> -> memref<1x43x16x128xbf16, #tpu.memory_space<hbm>>
    %dma_wait3A_843 = tpu.memref_squeeze %dma_wait3A_842 : memref<1x43x16x128xbf16, #tpu.memory_space<hbm>> -> memref<43x16x128xbf16, #tpu.memory_space<hbm>>
    %dma_wait3A_844 = arith.constant 0 : i32
    %dma_wait3A_845 = arith.constant 0 : i32
    %dma_wait3A_846 = arith.constant 0 : i32
    %dma_wait3A_847 = tpu.memref_slice %arg4[%arg1, %dma_wait3A_844, %dma_wait3A_845, %dma_wait3A_846] : memref<16x43x16x128xbf16, #tpu.memory_space<vmem_shared>> -> memref<1x43x16x128xbf16, #tpu.memory_space<vmem_shared>>
    %dma_wait3A_848 = tpu.memref_squeeze %dma_wait3A_847 : memref<1x43x16x128xbf16, #tpu.memory_space<vmem_shared>> -> memref<43x16x128xbf16, #tpu.memory_space<vmem_shared>>
    tpu.wait_dma2 semaphore(%arg8 : memref<!tpu.dma_semaphore, #tpu.memory_space<semaphore_mem>>) src(%dma_wait3A_848 : memref<43x16x128xbf16, #tpu.memory_space<vmem_shared>>) dst(%dma_wait3A_843 : memref<43x16x128xbf16, #tpu.memory_space<hbm>>)
    %add3A_849 = arith.constant 946 : i32
    %add3A_850 = arith.addi %mul3A_0, %add3A_849 : i32
    %dma_start3A_851 = arith.constant 0 : i32
    %dma_start3A_852 = arith.constant 0 : i32
    %dma_start3A_853 = arith.constant 0 : i32
    %dma_start3A_854 = tpu.memref_slice %arg4[%arg1, %dma_start3A_851, %dma_start3A_852, %dma_start3A_853] : memref<16x43x16x128xbf16, #tpu.memory_space<vmem_shared>> -> memref<1x43x16x128xbf16, #tpu.memory_space<vmem_shared>>
    %dma_start3A_855 = tpu.memref_squeeze %dma_start3A_854 : memref<1x43x16x128xbf16, #tpu.memory_space<vmem_shared>> -> memref<43x16x128xbf16, #tpu.memory_space<vmem_shared>>
    %dma_start3A_856 = arith.constant 0 : i32
    %dma_start3A_857 = arith.constant 0 : i32
    %dma_start3A_858 = tpu.memref_slice %arg2[%arg1, %add3A_850, %dma_start3A_856, %dma_start3A_857] : memref<16x4096x16x128xbf16, #tpu.memory_space<hbm>> -> memref<1x43x16x128xbf16, #tpu.memory_space<hbm>>
    %dma_start3A_859 = tpu.memref_squeeze %dma_start3A_858 : memref<1x43x16x128xbf16, #tpu.memory_space<hbm>> -> memref<43x16x128xbf16, #tpu.memory_space<hbm>>
    tpu.enqueue_dma source(%dma_start3A_859 : memref<43x16x128xbf16, #tpu.memory_space<hbm>>) target(%dma_start3A_855 : memref<43x16x128xbf16, #tpu.memory_space<vmem_shared>>) target_semaphore(%arg6 : memref<!tpu.dma_semaphore, #tpu.memory_space<semaphore_mem>>)
    %dma_wait3A_860 = arith.constant 0 : i32
    %dma_wait3A_861 = arith.constant 0 : i32
    %dma_wait3A_862 = arith.constant 0 : i32
    %dma_wait3A_863 = tpu.memref_slice %arg5[%arg1, %dma_wait3A_860, %dma_wait3A_861, %dma_wait3A_862] : memref<16x43x16x128xbf16, #tpu.memory_space<vmem_shared>> -> memref<1x43x16x128xbf16, #tpu.memory_space<vmem_shared>>
    %dma_wait3A_864 = tpu.memref_squeeze %dma_wait3A_863 : memref<1x43x16x128xbf16, #tpu.memory_space<vmem_shared>> -> memref<43x16x128xbf16, #tpu.memory_space<vmem_shared>>
    %dma_wait3A_865 = arith.constant 0 : i32
    %dma_wait3A_866 = arith.constant 0 : i32
    %dma_wait3A_867 = tpu.memref_slice %arg2[%arg1, %add3A_810, %dma_wait3A_865, %dma_wait3A_866] : memref<16x4096x16x128xbf16, #tpu.memory_space<hbm>> -> memref<1x43x16x128xbf16, #tpu.memory_space<hbm>>
    %dma_wait3A_868 = tpu.memref_squeeze %dma_wait3A_867 : memref<1x43x16x128xbf16, #tpu.memory_space<hbm>> -> memref<43x16x128xbf16, #tpu.memory_space<hbm>>
    tpu.wait_dma2 semaphore(%arg7 : memref<!tpu.dma_semaphore, #tpu.memory_space<semaphore_mem>>) src(%dma_wait3A_868 : memref<43x16x128xbf16, #tpu.memory_space<hbm>>) dst(%dma_wait3A_864 : memref<43x16x128xbf16, #tpu.memory_space<vmem_shared>>)
    %add3A_869 = arith.constant 903 : i32
    %add3A_870 = arith.addi %mul3A_0, %add3A_869 : i32
    %dma_start3A_871 = arith.constant 0 : i32
    %dma_start3A_872 = arith.constant 0 : i32
    %dma_start3A_873 = tpu.memref_slice %arg3[%arg1, %add3A_870, %dma_start3A_871, %dma_start3A_872] : memref<16x2064x16x128xbf16, #tpu.memory_space<hbm>> -> memref<1x43x16x128xbf16, #tpu.memory_space<hbm>>
    %dma_start3A_874 = tpu.memref_squeeze %dma_start3A_873 : memref<1x43x16x128xbf16, #tpu.memory_space<hbm>> -> memref<43x16x128xbf16, #tpu.memory_space<hbm>>
    %dma_start3A_875 = arith.constant 0 : i32
    %dma_start3A_876 = arith.constant 0 : i32
    %dma_start3A_877 = arith.constant 0 : i32
    %dma_start3A_878 = tpu.memref_slice %arg5[%arg1, %dma_start3A_875, %dma_start3A_876, %dma_start3A_877] : memref<16x43x16x128xbf16, #tpu.memory_space<vmem_shared>> -> memref<1x43x16x128xbf16, #tpu.memory_space<vmem_shared>>
    %dma_start3A_879 = tpu.memref_squeeze %dma_start3A_878 : memref<1x43x16x128xbf16, #tpu.memory_space<vmem_shared>> -> memref<43x16x128xbf16, #tpu.memory_space<vmem_shared>>
    tpu.enqueue_dma source(%dma_start3A_879 : memref<43x16x128xbf16, #tpu.memory_space<vmem_shared>>) target(%dma_start3A_874 : memref<43x16x128xbf16, #tpu.memory_space<hbm>>) target_semaphore(%arg9 : memref<!tpu.dma_semaphore, #tpu.memory_space<semaphore_mem>>)
    %dma_wait3A_880 = arith.constant 0 : i32
    %dma_wait3A_881 = arith.constant 0 : i32
    %dma_wait3A_882 = tpu.memref_slice %arg3[%arg1, %add3A_870, %dma_wait3A_880, %dma_wait3A_881] : memref<16x2064x16x128xbf16, #tpu.memory_space<hbm>> -> memref<1x43x16x128xbf16, #tpu.memory_space<hbm>>
    %dma_wait3A_883 = tpu.memref_squeeze %dma_wait3A_882 : memref<1x43x16x128xbf16, #tpu.memory_space<hbm>> -> memref<43x16x128xbf16, #tpu.memory_space<hbm>>
    %dma_wait3A_884 = arith.constant 0 : i32
    %dma_wait3A_885 = arith.constant 0 : i32
    %dma_wait3A_886 = arith.constant 0 : i32
    %dma_wait3A_887 = tpu.memref_slice %arg5[%arg1, %dma_wait3A_884, %dma_wait3A_885, %dma_wait3A_886] : memref<16x43x16x128xbf16, #tpu.memory_space<vmem_shared>> -> memref<1x43x16x128xbf16, #tpu.memory_space<vmem_shared>>
    %dma_wait3A_888 = tpu.memref_squeeze %dma_wait3A_887 : memref<1x43x16x128xbf16, #tpu.memory_space<vmem_shared>> -> memref<43x16x128xbf16, #tpu.memory_space<vmem_shared>>
    tpu.wait_dma2 semaphore(%arg9 : memref<!tpu.dma_semaphore, #tpu.memory_space<semaphore_mem>>) src(%dma_wait3A_888 : memref<43x16x128xbf16, #tpu.memory_space<vmem_shared>>) dst(%dma_wait3A_883 : memref<43x16x128xbf16, #tpu.memory_space<hbm>>)
    %add3A_889 = arith.constant 989 : i32
    %add3A_890 = arith.addi %mul3A_0, %add3A_889 : i32
    %dma_start3A_891 = arith.constant 0 : i32
    %dma_start3A_892 = arith.constant 0 : i32
    %dma_start3A_893 = arith.constant 0 : i32
    %dma_start3A_894 = tpu.memref_slice %arg5[%arg1, %dma_start3A_891, %dma_start3A_892, %dma_start3A_893] : memref<16x43x16x128xbf16, #tpu.memory_space<vmem_shared>> -> memref<1x43x16x128xbf16, #tpu.memory_space<vmem_shared>>
    %dma_start3A_895 = tpu.memref_squeeze %dma_start3A_894 : memref<1x43x16x128xbf16, #tpu.memory_space<vmem_shared>> -> memref<43x16x128xbf16, #tpu.memory_space<vmem_shared>>
    %dma_start3A_896 = arith.constant 0 : i32
    %dma_start3A_897 = arith.constant 0 : i32
    %dma_start3A_898 = tpu.memref_slice %arg2[%arg1, %add3A_890, %dma_start3A_896, %dma_start3A_897] : memref<16x4096x16x128xbf16, #tpu.memory_space<hbm>> -> memref<1x43x16x128xbf16, #tpu.memory_space<hbm>>
    %dma_start3A_899 = tpu.memref_squeeze %dma_start3A_898 : memref<1x43x16x128xbf16, #tpu.memory_space<hbm>> -> memref<43x16x128xbf16, #tpu.memory_space<hbm>>
    tpu.enqueue_dma source(%dma_start3A_899 : memref<43x16x128xbf16, #tpu.memory_space<hbm>>) target(%dma_start3A_895 : memref<43x16x128xbf16, #tpu.memory_space<vmem_shared>>) target_semaphore(%arg7 : memref<!tpu.dma_semaphore, #tpu.memory_space<semaphore_mem>>)
    %dma_wait3A_900 = arith.constant 0 : i32
    %dma_wait3A_901 = arith.constant 0 : i32
    %dma_wait3A_902 = arith.constant 0 : i32
    %dma_wait3A_903 = tpu.memref_slice %arg4[%arg1, %dma_wait3A_900, %dma_wait3A_901, %dma_wait3A_902] : memref<16x43x16x128xbf16, #tpu.memory_space<vmem_shared>> -> memref<1x43x16x128xbf16, #tpu.memory_space<vmem_shared>>
    %dma_wait3A_904 = tpu.memref_squeeze %dma_wait3A_903 : memref<1x43x16x128xbf16, #tpu.memory_space<vmem_shared>> -> memref<43x16x128xbf16, #tpu.memory_space<vmem_shared>>
    %dma_wait3A_905 = arith.constant 0 : i32
    %dma_wait3A_906 = arith.constant 0 : i32
    %dma_wait3A_907 = tpu.memref_slice %arg2[%arg1, %add3A_850, %dma_wait3A_905, %dma_wait3A_906] : memref<16x4096x16x128xbf16, #tpu.memory_space<hbm>> -> memref<1x43x16x128xbf16, #tpu.memory_space<hbm>>
    %dma_wait3A_908 = tpu.memref_squeeze %dma_wait3A_907 : memref<1x43x16x128xbf16, #tpu.memory_space<hbm>> -> memref<43x16x128xbf16, #tpu.memory_space<hbm>>
    tpu.wait_dma2 semaphore(%arg6 : memref<!tpu.dma_semaphore, #tpu.memory_space<semaphore_mem>>) src(%dma_wait3A_908 : memref<43x16x128xbf16, #tpu.memory_space<hbm>>) dst(%dma_wait3A_904 : memref<43x16x128xbf16, #tpu.memory_space<vmem_shared>>)
    %add3A_909 = arith.constant 946 : i32
    %add3A_910 = arith.addi %mul3A_0, %add3A_909 : i32
    %dma_start3A_911 = arith.constant 0 : i32
    %dma_start3A_912 = arith.constant 0 : i32
    %dma_start3A_913 = tpu.memref_slice %arg3[%arg1, %add3A_910, %dma_start3A_911, %dma_start3A_912] : memref<16x2064x16x128xbf16, #tpu.memory_space<hbm>> -> memref<1x43x16x128xbf16, #tpu.memory_space<hbm>>
    %dma_start3A_914 = tpu.memref_squeeze %dma_start3A_913 : memref<1x43x16x128xbf16, #tpu.memory_space<hbm>> -> memref<43x16x128xbf16, #tpu.memory_space<hbm>>
    %dma_start3A_915 = arith.constant 0 : i32
    %dma_start3A_916 = arith.constant 0 : i32
    %dma_start3A_917 = arith.constant 0 : i32
    %dma_start3A_918 = tpu.memref_slice %arg4[%arg1, %dma_start3A_915, %dma_start3A_916, %dma_start3A_917] : memref<16x43x16x128xbf16, #tpu.memory_space<vmem_shared>> -> memref<1x43x16x128xbf16, #tpu.memory_space<vmem_shared>>
    %dma_start3A_919 = tpu.memref_squeeze %dma_start3A_918 : memref<1x43x16x128xbf16, #tpu.memory_space<vmem_shared>> -> memref<43x16x128xbf16, #tpu.memory_space<vmem_shared>>
    tpu.enqueue_dma source(%dma_start3A_919 : memref<43x16x128xbf16, #tpu.memory_space<vmem_shared>>) target(%dma_start3A_914 : memref<43x16x128xbf16, #tpu.memory_space<hbm>>) target_semaphore(%arg8 : memref<!tpu.dma_semaphore, #tpu.memory_space<semaphore_mem>>)
    %dma_wait3A_920 = arith.constant 0 : i32
    %dma_wait3A_921 = arith.constant 0 : i32
    %dma_wait3A_922 = tpu.memref_slice %arg3[%arg1, %add3A_910, %dma_wait3A_920, %dma_wait3A_921] : memref<16x2064x16x128xbf16, #tpu.memory_space<hbm>> -> memref<1x43x16x128xbf16, #tpu.memory_space<hbm>>
    %dma_wait3A_923 = tpu.memref_squeeze %dma_wait3A_922 : memref<1x43x16x128xbf16, #tpu.memory_space<hbm>> -> memref<43x16x128xbf16, #tpu.memory_space<hbm>>
    %dma_wait3A_924 = arith.constant 0 : i32
    %dma_wait3A_925 = arith.constant 0 : i32
    %dma_wait3A_926 = arith.constant 0 : i32
    %dma_wait3A_927 = tpu.memref_slice %arg4[%arg1, %dma_wait3A_924, %dma_wait3A_925, %dma_wait3A_926] : memref<16x43x16x128xbf16, #tpu.memory_space<vmem_shared>> -> memref<1x43x16x128xbf16, #tpu.memory_space<vmem_shared>>
    %dma_wait3A_928 = tpu.memref_squeeze %dma_wait3A_927 : memref<1x43x16x128xbf16, #tpu.memory_space<vmem_shared>> -> memref<43x16x128xbf16, #tpu.memory_space<vmem_shared>>
    tpu.wait_dma2 semaphore(%arg8 : memref<!tpu.dma_semaphore, #tpu.memory_space<semaphore_mem>>) src(%dma_wait3A_928 : memref<43x16x128xbf16, #tpu.memory_space<vmem_shared>>) dst(%dma_wait3A_923 : memref<43x16x128xbf16, #tpu.memory_space<hbm>>)
    %dma_wait3A_929 = arith.constant 0 : i32
    %dma_wait3A_930 = arith.constant 0 : i32
    %dma_wait3A_931 = arith.constant 0 : i32
    %dma_wait3A_932 = tpu.memref_slice %arg5[%arg1, %dma_wait3A_929, %dma_wait3A_930, %dma_wait3A_931] : memref<16x43x16x128xbf16, #tpu.memory_space<vmem_shared>> -> memref<1x43x16x128xbf16, #tpu.memory_space<vmem_shared>>
    %dma_wait3A_933 = tpu.memref_squeeze %dma_wait3A_932 : memref<1x43x16x128xbf16, #tpu.memory_space<vmem_shared>> -> memref<43x16x128xbf16, #tpu.memory_space<vmem_shared>>
    %dma_wait3A_934 = arith.constant 0 : i32
    %dma_wait3A_935 = arith.constant 0 : i32
    %dma_wait3A_936 = tpu.memref_slice %arg2[%arg1, %add3A_890, %dma_wait3A_934, %dma_wait3A_935] : memref<16x4096x16x128xbf16, #tpu.memory_space<hbm>> -> memref<1x43x16x128xbf16, #tpu.memory_space<hbm>>
    %dma_wait3A_937 = tpu.memref_squeeze %dma_wait3A_936 : memref<1x43x16x128xbf16, #tpu.memory_space<hbm>> -> memref<43x16x128xbf16, #tpu.memory_space<hbm>>
    tpu.wait_dma2 semaphore(%arg7 : memref<!tpu.dma_semaphore, #tpu.memory_space<semaphore_mem>>) src(%dma_wait3A_937 : memref<43x16x128xbf16, #tpu.memory_space<hbm>>) dst(%dma_wait3A_933 : memref<43x16x128xbf16, #tpu.memory_space<vmem_shared>>)
    %add3A_938 = arith.constant 989 : i32
    %add3A_939 = arith.addi %mul3A_0, %add3A_938 : i32
    %dma_start3A_940 = arith.constant 0 : i32
    %dma_start3A_941 = arith.constant 0 : i32
    %dma_start3A_942 = tpu.memref_slice %arg3[%arg1, %add3A_939, %dma_start3A_940, %dma_start3A_941] : memref<16x2064x16x128xbf16, #tpu.memory_space<hbm>> -> memref<1x43x16x128xbf16, #tpu.memory_space<hbm>>
    %dma_start3A_943 = tpu.memref_squeeze %dma_start3A_942 : memref<1x43x16x128xbf16, #tpu.memory_space<hbm>> -> memref<43x16x128xbf16, #tpu.memory_space<hbm>>
    %dma_start3A_944 = arith.constant 0 : i32
    %dma_start3A_945 = arith.constant 0 : i32
    %dma_start3A_946 = arith.constant 0 : i32
    %dma_start3A_947 = tpu.memref_slice %arg5[%arg1, %dma_start3A_944, %dma_start3A_945, %dma_start3A_946] : memref<16x43x16x128xbf16, #tpu.memory_space<vmem_shared>> -> memref<1x43x16x128xbf16, #tpu.memory_space<vmem_shared>>
    %dma_start3A_948 = tpu.memref_squeeze %dma_start3A_947 : memref<1x43x16x128xbf16, #tpu.memory_space<vmem_shared>> -> memref<43x16x128xbf16, #tpu.memory_space<vmem_shared>>
    tpu.enqueue_dma source(%dma_start3A_948 : memref<43x16x128xbf16, #tpu.memory_space<vmem_shared>>) target(%dma_start3A_943 : memref<43x16x128xbf16, #tpu.memory_space<hbm>>) target_semaphore(%arg9 : memref<!tpu.dma_semaphore, #tpu.memory_space<semaphore_mem>>)
    %dma_wait3A_949 = arith.constant 0 : i32
    %dma_wait3A_950 = arith.constant 0 : i32
    %dma_wait3A_951 = tpu.memref_slice %arg3[%arg1, %add3A_939, %dma_wait3A_949, %dma_wait3A_950] : memref<16x2064x16x128xbf16, #tpu.memory_space<hbm>> -> memref<1x43x16x128xbf16, #tpu.memory_space<hbm>>
    %dma_wait3A_952 = tpu.memref_squeeze %dma_wait3A_951 : memref<1x43x16x128xbf16, #tpu.memory_space<hbm>> -> memref<43x16x128xbf16, #tpu.memory_space<hbm>>
    %dma_wait3A_953 = arith.constant 0 : i32
    %dma_wait3A_954 = arith.constant 0 : i32
    %dma_wait3A_955 = arith.constant 0 : i32
    %dma_wait3A_956 = tpu.memref_slice %arg5[%arg1, %dma_wait3A_953, %dma_wait3A_954, %dma_wait3A_955] : memref<16x43x16x128xbf16, #tpu.memory_space<vmem_shared>> -> memref<1x43x16x128xbf16, #tpu.memory_space<vmem_shared>>
    %dma_wait3A_957 = tpu.memref_squeeze %dma_wait3A_956 : memref<1x43x16x128xbf16, #tpu.memory_space<vmem_shared>> -> memref<43x16x128xbf16, #tpu.memory_space<vmem_shared>>
    tpu.wait_dma2 semaphore(%arg9 : memref<!tpu.dma_semaphore, #tpu.memory_space<semaphore_mem>>) src(%dma_wait3A_957 : memref<43x16x128xbf16, #tpu.memory_space<vmem_shared>>) dst(%dma_wait3A_952 : memref<43x16x128xbf16, #tpu.memory_space<hbm>>)
    return
  }
}

module attributes {stable_mosaic.version = 14 : i64} {
  func.func @_tc_bulk_body(%arg0: i32, %arg1: i32, %arg2: memref<1x1032x16x128xbf16, #tpu.memory_space<vmem>>, %arg3: memref<1x1032x16x128xbf16, #tpu.memory_space<vmem>>) attributes {dimension_semantics = [#tpu.dimension_semantics<arbitrary>, #tpu.dimension_semantics<arbitrary>], iteration_bounds = array<i64: 16, 2>, scalar_prefetch = 0 : i64, scratch_operands = 0 : i64, tpu.core_type = #tpu.core_type<tc>, window_params = [{transform_indices = @transform_0, window_bounds = array<i64: 1, 1032, 16, 128>}, {transform_indices = @transform_1, window_bounds = array<i64: 1, 1032, 16, 128>}]} {
    %get3A = arith.constant 0 : index
    %get3A_0 = arith.constant 0 : index
    %get3A_1 = arith.constant 0 : index
    %get3A_2 = arith.constant 0 : index
    %get3A_3 = vector.load %arg2[%get3A, %get3A_0, %get3A_1, %get3A_2] : memref<1x1032x16x128xbf16, #tpu.memory_space<vmem>>, vector<1x1032x16x128xbf16>
    %swap3A = arith.constant 0 : index
    %swap3A_4 = arith.constant 0 : index
    %swap3A_5 = arith.constant 0 : index
    %swap3A_6 = arith.constant 0 : index
    %swap3A_7 = vector.load %arg3[%swap3A, %swap3A_4, %swap3A_5, %swap3A_6] : memref<1x1032x16x128xbf16, #tpu.memory_space<vmem>>, vector<1x1032x16x128xbf16>
    tpu.vector_store %arg3[%swap3A, %swap3A_4, %swap3A_5, %swap3A_6], %get3A_3 {strides = array<i32>} : memref<1x1032x16x128xbf16, #tpu.memory_space<vmem>>, vector<1x1032x16x128xbf16>,
    return
  }
  func.func @transform_0(%arg0: i32, %arg1: i32) -> (i32, i32, i32, i32) {
    %c0_i32 = arith.constant 0 : i32
    %c0_i32_0 = arith.constant 0 : i32
    %c0_i32_1 = arith.constant 0 : i32
    return %arg0, %arg1, %c0_i32, %c0_i32_0 : i32, i32, i32, i32
  }
  func.func @transform_1(%arg0: i32, %arg1: i32) -> (i32, i32, i32, i32) {
    %c0_i32 = arith.constant 0 : i32
    %c0_i32_0 = arith.constant 0 : i32
    %c0_i32_1 = arith.constant 0 : i32
    return %arg0, %arg1, %c0_i32, %c0_i32_0 : i32, i32, i32, i32
  }
}

module attributes {stable_mosaic.version = 14 : i64} {
  func.func @_patch_body(%arg0: memref<1xi32, #tpu.memory_space<smem>>, %arg1: memref<16x16x16x128xbf16, #tpu.memory_space<any>>, %arg2: memref<16x16x16x128xbf16, #tpu.memory_space<any>>, %arg3: memref<16x2064x16x128xbf16, #tpu.memory_space<any>>, %arg4: memref<16x2064x16x128xbf16, #tpu.memory_space<any>>, %arg5: memref<16x2064x16x128xbf16, #tpu.memory_space<any>>, %arg6: memref<16x2064x16x128xbf16, #tpu.memory_space<any>>, %arg7: memref<!tpu.dma_semaphore, #tpu.memory_space<semaphore_mem>>, %arg8: memref<!tpu.dma_semaphore, #tpu.memory_space<semaphore_mem>>) attributes {dimension_semantics = [], scalar_prefetch = 0 : i64, scratch_operands = 2 : i64, tpu.core_type = #tpu.core_type<tc>} {
    %get3A = arith.constant 0 : index
    %get3A_0 = memref.load %arg0[%get3A] : memref<1xi32, #tpu.memory_space<smem>>
    %dma_start3A = arith.constant 0 : i32
    %dma_start3A_1 = arith.constant 0 : i32
    %dma_start3A_2 = arith.constant 0 : i32
    %dma_start3A_3 = tpu.memref_slice %arg5[%dma_start3A, %get3A_0, %dma_start3A_1, %dma_start3A_2] : memref<16x2064x16x128xbf16, #tpu.memory_space<any>> -> memref<16x16x16x128xbf16, #tpu.memory_space<any>>
    tpu.enqueue_dma source(%arg1 : memref<16x16x16x128xbf16, #tpu.memory_space<any>>) target(%dma_start3A_3 : memref<16x16x16x128xbf16, #tpu.memory_space<any>>) target_semaphore(%arg7 : memref<!tpu.dma_semaphore, #tpu.memory_space<semaphore_mem>>)
    %dma_start3A_4 = arith.constant 0 : i32
    %dma_start3A_5 = arith.constant 0 : i32
    %dma_start3A_6 = arith.constant 0 : i32
    %dma_start3A_7 = tpu.memref_slice %arg6[%dma_start3A_4, %get3A_0, %dma_start3A_5, %dma_start3A_6] : memref<16x2064x16x128xbf16, #tpu.memory_space<any>> -> memref<16x16x16x128xbf16, #tpu.memory_space<any>>
    tpu.enqueue_dma source(%arg2 : memref<16x16x16x128xbf16, #tpu.memory_space<any>>) target(%dma_start3A_7 : memref<16x16x16x128xbf16, #tpu.memory_space<any>>) target_semaphore(%arg8 : memref<!tpu.dma_semaphore, #tpu.memory_space<semaphore_mem>>)
    %dma_wait3A = arith.constant 0 : i32
    %dma_wait3A_8 = arith.constant 0 : i32
    %dma_wait3A_9 = arith.constant 0 : i32
    %dma_wait3A_10 = tpu.memref_slice %arg5[%dma_wait3A, %get3A_0, %dma_wait3A_8, %dma_wait3A_9] : memref<16x2064x16x128xbf16, #tpu.memory_space<any>> -> memref<16x16x16x128xbf16, #tpu.memory_space<any>>
    tpu.wait_dma2 semaphore(%arg7 : memref<!tpu.dma_semaphore, #tpu.memory_space<semaphore_mem>>) src(%arg1 : memref<16x16x16x128xbf16, #tpu.memory_space<any>>) dst(%dma_wait3A_10 : memref<16x16x16x128xbf16, #tpu.memory_space<any>>)
    %dma_wait3A_11 = arith.constant 0 : i32
    %dma_wait3A_12 = arith.constant 0 : i32
    %dma_wait3A_13 = arith.constant 0 : i32
    %dma_wait3A_14 = tpu.memref_slice %arg6[%dma_wait3A_11, %get3A_0, %dma_wait3A_12, %dma_wait3A_13] : memref<16x2064x16x128xbf16, #tpu.memory_space<any>> -> memref<16x16x16x128xbf16, #tpu.memory_space<any>>
    tpu.wait_dma2 semaphore(%arg8 : memref<!tpu.dma_semaphore, #tpu.memory_space<semaphore_mem>>) src(%arg2 : memref<16x16x16x128xbf16, #tpu.memory_space<any>>) dst(%dma_wait3A_14 : memref<16x16x16x128xbf16, #tpu.memory_space<any>>)
    return
  }
}

</mosaic_0001>

<sc_bundles>
// kernel: kernel.5.cloned.1.call-start
scs
__scs_entry_jumppad:
0x0: {  	(pc) =	sbr.rel $0x88, $3  }
0x1: {  	(tag) =	ssettag $0x0;
	lr =	simm.s32 $0x1  }
0x2: {  	[smem:$0x3F9C] =	sst lr;
	_ =	strace $0xD0000000  }
0x3: {  	_ = 	snop  }
0x4: {  	_ = 	snop  }
0x5: {  	_ = 	snop  }
0x6: {  	_ = 	snop  }
0x7: {  	_ = 	snop  }
__scs_overlays_trampoline_lowered:
0x8: {  	[smem:$0x3FAB] =	sst s0  }
0x9: {  	[smem:$0x3FAC] =	sst s1  }
0xa: {  	[smem:$0x3FAD] =	sst s2  }
0xb: {  	[smem:$0x3FAE] =	sst s3  }
0xc: {  	[smem:$0x3FAF] =	sst s4  }
0xd: {  	[smem:$0x3FB0] =	sst s5  }
0xe: {  	[smem:$0x3FB1] =	sst s6  }
0xf: {  	[smem:$0x3FB2] =	sst s7  }
0x10: {  	[smem:$0x3FB3] =	sst s8  }
0x11: {  	[smem:$0x3FB4] =	sst s9;
	s0 =	simm.s32 @!p0 $0x0  }
0x12: {  	s1 =	sld [smem:$0x3F9A];
	s0 =	simm.s32 @p0 $0x1  }
0x13: {  	[smem:$0x3FB5] =	sst s0;
	s0 =	simm.s32 @!p1 $0x0  }
0x14: {  	s2 =	sld [smem:$0x3F99];
	s0 =	simm.s32 @p1 $0x1  }
0x15: {  	[smem:$0x3FB6] =	sst s0;
	s0 =	simm.s32 @!p2 $0x0  }
0x16: {  	s3 =	sld [smem:$0x3FDB];
	s0 =	simm.s32 @p2 $0x1  }
0x17: {  	s4 =	simm.s32 $0x1BF5;
	[smem:$0x3FB8] =	sst s0  }
0x18: {  	s0 =	sld [smem:$0x3F9B];
	_ =	swait.ge [sflag:s4], $0x0  }
0x19: {  	s7 =	sld [smem:$0x3F9C]  }
0x1a: {  	s8 =	sadd.s32 $0xFFFFE003, lr  }
0x1b: {  	s9 =	sadd.s32 $0xFFFFFEF7, lr;
	s5 =	simm.s32 $0xFFFFFFFF;
	p2 =	slt.u32 s8, $0xFFFFF086  }
0x1c: {  	p1 =	slt.u32 s9, $0xF7A;
	s5 =	simm.s32 @!p2 $0x0  }
0x1d: {  	s5 =	simm.s32 @p1 $0x1;
	p0 =	seq.s32 s7, s2  }
0x1e: {  	s7 =	smul.u32 @!p0 $0xF7A, s2;
	p2 =	seq.s32 @!p0 s5, $0x0  }
0x1f: {  	s9 =	smul.u32 $0xF7A, s1;
	s8 =	simm.s32 @!p0 $0x1BF5;
	p2 =	por !p2, p0  }
0x20: {  	[sflag:s8] =	ssyncset.s32 @!p0 $0xFFFFF086;
	s6 =	sadd.s32 @!p0 s3, s7;
	s7 =	simm.s32 @!p0 $0x108  }
0x21: {  	s3 =	sadd.s32 s3, s9;
	s6 =	sadd.s32 @!p0 $0x88, s6;
	s7 =	simm.s32 @p2 $0x1082  }
0x22: {  	[simem:s7], [sflag:s8] =	dma.local @!p0 [hbm:s6], $0xF7A  }
0x23: {  	s9 =	sor.u32 $0xD0000000, s2;
	s6 =	simm.s32 $0x108;
	_ =	swait.ge @!p0 [sflag:s8], $0x0  }
0x24: {  	s3 =	sadd.s32 $0x88, s3;
	s6 =	simm.s32 @!p1 $0x1082;
	[sflag:s4] =	ssyncset.s32 $0xFFFFF086  }
0x25: {  	[simem:s6], [sflag:s4] =	dma.local [hbm:s3], $0xF7A  }
0x26: {  	[smem:$0x3F9C] =	sst s1;
	(tag) =	ssettag s2;
	_ =	strace s9  }
0x27: {  	s1 =	sld [smem:$0x3FAC]  }
0x28: {  	s2 =	sld [smem:$0x3FAD]  }
0x29: {  	s4 =	sld [smem:$0x3FAF]  }
0x2a: {  	p0 =	seq.s32 s5, $0x0;
	s5 =	sld [smem:$0x3FB0]  }
0x2b: {  	s6 =	sld [smem:$0x3FB1]  }
0x2c: {  	s7 =	sld [smem:$0x3FB2]  }
0x2d: {  	s3 =	simm.s32 $0x108;
	s8 =	sld [smem:$0x3FB3]  }
0x2e: {  	s3 =	simm.s32 @!p0 $0x1082;
	s9 =	sld [smem:$0x3FB4]  }
0x2f: {  	lr =	sadd.s32 s0, s3;
	s0 =	sld [smem:$0x3FAB]  }
0x30: {  	s3 =	sld [smem:$0x3FAE]  }
0x31: {  	[smem:$0x3FB7] =	sst s10  }
0x32: {  	s10 =	sld [smem:$0x3FB5];
	_ =	sdelay $0x3  }
0x33: {  	p0 =	seq.s32 s10, $0x1;
	s10 =	sld [smem:$0x3FB7];
	_ =	sdelay $0x3  }
0x34: {  	[smem:$0x3FB7] =	sst s10  }
0x35: {  	s10 =	sld [smem:$0x3FB6];
	_ =	sdelay $0x3  }
0x36: {  	p1 =	seq.s32 s10, $0x1;
	s10 =	sld [smem:$0x3FB7];
	_ =	sdelay $0x3  }
0x37: {  	[smem:$0x3FB7] =	sst s10  }
0x38: {  	s10 =	sld [smem:$0x3FB8]  }
0x39: {  	_ = 	snop;
	(pc) =	sbr.ind lr, $3  }
0x3a: {  	_ = 	snop  }
0x3b: {  	_ = 	snop  }
0x3c: {  	p2 =	seq.s32 s10, $0x1;
	s10 =	sld [smem:$0x3FB7]  }
0x3d: {  	_ =	shalt  }
0x3e: {  	_ =	shalt  }
0x3f: {  	_ =	shalt  }
0x40: {  	_ =	shalt  }
0x41: {  	_ =	shalt  }
0x42: {  	_ =	shalt  }
0x43: {  	_ =	shalt  }
0x44: {  	_ =	shalt  }
0x45: {  	_ =	shalt  }
0x46: {  	_ =	shalt  }
0x47: {  	_ =	shalt  }
0x48: {  	_ =	shalt  }
0x49: {  	_ =	shalt  }
0x4a: {  	_ =	shalt  }
0x4b: {  	_ =	shalt  }
0x4c: {  	_ =	shalt  }
0x4d: {  	_ =	shalt  }
0x4e: {  	_ =	shalt  }
0x4f: {  	_ =	shalt  }
0x50: {  	_ =	shalt  }
0x51: {  	_ =	shalt  }
0x52: {  	_ =	shalt  }
0x53: {  	_ =	shalt  }
0x54: {  	_ =	shalt  }
0x55: {  	_ =	shalt  }
0x56: {  	_ =	shalt  }
0x57: {  	_ =	shalt  }
0x58: {  	_ =	shalt  }
0x59: {  	_ =	shalt  }
0x5a: {  	_ =	shalt  }
0x5b: {  	_ =	shalt  }
0x5c: {  	_ =	shalt  }
0x5d: {  	_ =	shalt  }
0x5e: {  	_ =	shalt  }
0x5f: {  	_ =	shalt  }
0x60: {  	_ =	shalt  }
0x61: {  	_ =	shalt  }
0x62: {  	_ =	shalt  }
0x63: {  	_ =	shalt  }
0x64: {  	_ =	shalt  }
0x65: {  	_ =	shalt  }
0x66: {  	_ =	shalt  }
0x67: {  	_ =	shalt  }
0x68: {  	_ =	shalt  }
0x69: {  	_ =	shalt  }
0x6a: {  	_ =	shalt  }
0x6b: {  	_ =	shalt  }
0x6c: {  	_ =	shalt  }
0x6d: {  	_ =	shalt  }
0x6e: {  	_ =	shalt  }
0x6f: {  	_ =	shalt  }
0x70: {  	_ =	shalt  }
0x71: {  	_ =	shalt  }
0x72: {  	_ =	shalt  }
0x73: {  	_ =	shalt  }
0x74: {  	_ =	shalt  }
0x75: {  	_ =	shalt  }
0x76: {  	_ =	shalt  }
0x77: {  	_ =	shalt  }
0x78: {  	_ =	shalt  }
0x79: {  	_ =	shalt  }
0x7a: {  	_ =	shalt  }
0x7b: {  	_ =	shalt  }
0x7c: {  	_ =	shalt  }
0x7d: {  	_ =	shalt  }
0x7e: {  	_ =	shalt  }
0x7f: {  	_ =	shalt  }
0x80: {  	_ =	shalt  }
0x81: {  	_ =	shalt  }
0x82: {  	_ =	shalt  }
0x83: {  	_ =	shalt  }
0x84: {  	_ =	shalt  }
0x85: {  	_ =	shalt  }
0x86: {  	_ =	shalt  }
0x87: {  	_ =	shalt  }
.Lfunc_end0:
.L_simem_size_0:
called_computation_lowered:
.L_overlay_start_0:
0x88: {  	s2 =	sld [smem:$0x3FD9]  }
0x89: {  	s3 =	sld [smem:$0x3FFE];
	_ =	sdelay $0x1  }
0x8a: {  	s1 =	srdreg.scid  }
0x8b: {  	s0 =	sand.u32 $0x1, s1  }
0x8c: {  	s15 =	sshll.u32 s0, $0xA;
	s2 =	sadd.s32 s3, s2  }
0x8d: {  	s2 =	sadd.s32 s2, s15  }
0x8e: {  	[smem:$0x3FC3] =	sst s2  }
0x8f: {  	_ = 	snop  }
0x90: {  	s2 =	sld [smem:$0x3FD0];
	_ =	sdelay $0x2  }
0x91: {  	s4 =	simm.s32 $0xA;
	s5 =	simm.s32 $0x10;
	s16 =	sld [smem:$0x3FC8]  }
0x92: {  	[smem:s5], [sflag:s4] =	dma.local [hbm:s2], $0x1  }
0x93: {  	_ =	swait.eq [sflag:s4], $0x1  }
0x94: {  	[sflag:s4] =	ssyncset.done $0x0  }
0x95: {  	[sflag:s4] =	ssyncadd.s32 $0xFFFFFFFF  }
0x96: {  	s17 =	sld [smem:$0x11];
	(tm) =	ssettm $0x1  }
0x97: {  	s18 =	sld [smem:$0x3FFB];
	_ =	sdelay $0x3  }
0x98: {  	_ =	strace s18  }
0x99: {  	s4 =	sld [smem:$0x3FFC];
	_ =	sdelay $0x3  }
0x9a: {  	_ =	strace s4  }
0x9b: {  	s4 =	sld [smem:$0x3FFD];
	_ =	sdelay $0x3  }
0x9c: {  	_ =	strace s4  }
0x9d: {  	_ =	strace $0x8FFFFFFF  }
0x9e: {  	s19 =	sld [smem:$0x3FDB];
	_ =	sdelay $0x1  }
0x9f: {  	s20 =	simm.s32 $_scs_section_size  }
0xa0: {  	s6 =	simm.s32 $_size__tile_overlayer_lowered;
	s7 =	simm.s32 $_tile_overlayer_lowered  }
0xa1: {  	s23 =	simm.s32 $0x1BFF;
	s22 =	sshll.u32 s7, $0x1;
	s4 =	sadd.s32 s20, s19  }
0xa2: {  	s8 =	simm.s32 $0x0;
	s21 =	sshll.u32 s6, $0x1;
	s6 =	sadd.s32 s22, s4  }
0xa3: {  	[timem:s8], [sflag:s23] =	dma.local [hbm:s6], s21  }
0xa4: {  	_ =	swait.ge [sflag:s23], s21  }
0xa5: {  	s5 =	ssub.s32 $0x0, s21;
	[sflag:s23] =	ssyncset.done $0x0  }
0xa6: {  	[sflag:s23] =	ssyncadd.s32 s5;
	_ =	sdelay $0x1  }
0xa7: {  	s24 =	simm.s32 $0x1B8B  }
0xa8: {  	_ =	swait.ge [sflag:s24], $0x1  }
0xa9: {  	[sflag:s24] =	ssyncset.done $0x0  }
0xaa: {  	s25 =	simm.s32 $0x1B8E;
	[sflag:s24] =	ssyncadd.s32 $0xFFFFFFFF  }
0xab: {  	s26 =	simm.s32 $execute0_lowered;
	[smem:$0x3FD2] =	sst s25  }
0xac: {  	s5 =	sshll.u32 s26, $0x1;
	_ =	strace $0x80000046;
	[dreg:$0x1] =	wrdreg $0xFFFFFFFF  }
0xad: {  	s28 =	simm.s32 $_size_execute0_lowered;
	s4 =	sadd.s32 s4, s5;
	[dreg:$0x0] =	wrdreg $0x0  }
0xae: {  	s5 =	sshll.u32 s28, $0x1;
	[dreg:$0x2] =	wrdreg s4  }
0xaf: {  	[dreg:$0x3] =	wrdreg s5  }
0xb0: {  	[dreg:$0x4] =	wrdreg $0xC0  }
0xb1: {  	_ =	task [dreg:s8], $0x5FFFF  }
0xb2: {  	[dreg:$0x1] =	wrdreg $0xFFFFFFFF  }
0xb3: {  	[dreg:$0x0] =	wrdreg $0x60  }
0xb4: {  	[dreg:$0x2] =	wrdreg s16  }
0xb5: {  	[dreg:$0x3] =	wrdreg s17  }
0xb6: {  	[dreg:$0x4] =	wrdreg $0x0  }
0xb7: {  	[dreg:$0x5] =	wrdreg $0xAC000  }
0xb8: {  	[dreg:$0x6] =	wrdreg $0x9  }
0xb9: {  	_ =	task.clear_ibuf [dreg:s8], $0x7FFFF;
	_ =	strace $0x90000046  }
0xba: {  	s29 =	simm.s32 $0x9;
	_ =	strace $0x80000048  }
0xbb: {  	_ =	swait.ge [sflag:s29], $0x1  }
0xbc: {  	[sflag:s29] =	ssyncadd.s32 $0xFFFFFFFF  }
0xbd: {  	_ =	strace $0x90000048  }
0xbe: {  	_ =	sfence  }
0xbf: {  	s30 =	sld [smem:$0x0];
	_ =	sdelay $0x2  }
0xc0: {  	s31 =	sshll.u32 s1, $0xD;
	s1 =	sshrl.u32 s1, $0x2  }
0xc1: {  	s3 =	sand.u32 $0x4000, s31;
	s1 =	sadd.s32 s1, s30  }
0xc2: {  	s0 =	sor.u32 s3, s0;
	s1 =	sshll.u32 s1, $0x11  }
0xc3: {  	s0 =	sor.u32 s1, s0  }
0xc4: {  	s0 =	sadd.s32 $0x8F2B, s0  }
0xc5: {  	[sflag:s0] =	ssyncadd.remote.s32 $0x1  }
0xc6: {  	_ =	sfence.sel $0xFFFF  }
0xc7: {  	[dreg:$0x0] =	wrdreg $0xFFFFFFFF;
	(pc) =	sbr.abs _section_cstart, $3  }
0xc8: {  	[dreg:$0x1] =	wrdreg $0xFFFFFFFF  }
0xc9: {  	_ =	task.clear_ibuf [dreg:s8], $0x2FFFF;
	_ =	strace $0x9FFFFFFF  }
0xca: {  	(tm) =	ssettm $0x7FFFFFFF  }
0xcb: {  	_ =	shalt  }
tec
execute0_lowered:
.L_overlay_start_1:
0x0: {  	(tag) =	ssettag $0x1  }
0x1: {  	s2 =	rddreg [dreg:$0x0]  }
0x2: {  	s0 =	rddreg [dreg:$0x1]  }
0x3: {  	s6 =	rddreg [dreg:$0x2]  }
0x4: {  	s4 =	rddreg [dreg:$0x3];
	s1 =	simm.s32 $0x0;
	s3 =	srdreg.scid  }
0x5: {  	s25 =	stileid.u32;
	p0 =	por $0x0, $0x0;
	[smem:$0x7FF] =	sst s1  }
0x6: {  	s16 =	sand.u32 $0x1, s3;
	s3 =	sshll.u32 s25, $0x17;
	s18 =	smul.u32 $0x15800, s25  }
0x7: {  	s28 =	sshll.u32 s25, $0x6;
	s7 =	ssub.s32 $0x2, s16;
	s5 =	smul.u32 $0x204000, s16  }
0x8: {  	_ =	strace $0x80000047;
	s17 =	sshrl.u32 s7, $0x1;
	s8 =	sshrl.u32 s18, $0x1  }
0x9: {  	s11 =	ssub.s32 s7, s17;
	s19 =	sor.u32 s5, s3;
	s10 =	sadd.s32 $0x15800, s5  }
0xa: {  	s7 =	smul.u32 $0x408000, s25;
	s12 =	sadd.s32 $0x2B000, s5;
	s31 =	sadd.s32 $0x40800, s5  }
0xb: {  	s16 =	sadd.s32 $0x56000, s5;
	s9 =	sshrl.u32 s19, $0x4;
	s21 =	sor.u32 s3, s10  }
0xc: {  	s26 =	sor.u32 s3, s12;
	s13 =	sor.u32 s3, s31;
	s18 =	sor.u32 s3, s16  }
0xd: {  	s20 =	sadd.s32 s2, s9;
	s22 =	sshrl.u32 s21, $0x4;
	s23 =	sadd.s32 s5, s7  }
0xe: {  	s29 =	sshrl.u32 s26, $0x4;
	s30 =	sadd.s32 s7, s10;
	s14 =	sshrl.u32 s13, $0x4  }
0xf: {  	s15 =	sadd.s32 s7, s12;
	s19 =	sshrl.u32 s18, $0x4;
	s21 =	sadd.s32 $0x6B800, s5  }
0x10: {  	s26 =	sadd.s32 s7, s16;
	s13 =	sadd.s32 $0x96800, s5;
	s18 =	sadd.s32 $0xAC000, s5  }
0x11: {  	s12 =	sadd.s32 $0x12D000, s5;
	[dreg:$0x5] =	wrdreg s20;
	s1 =	sadd.s32 s2, s22  }
0x12: {  	s9 =	sshrl.u32 s23, $0x4;
	s20 =	sadd.s32 s7, s31;
	s23 =	sor.u32 s3, s21  }
0x13: {  	s10 =	sadd.s32 s7, s21;
	[dreg:$0x6] =	wrdreg s1;
	s24 =	sadd.s32 s0, s9  }
0x14: {  	s1 =	sadd.s32 s2, s29;
	s9 =	sshrl.u32 s30, $0x4;
	[dreg:$0x7] =	wrdreg s24  }
0x15: {  	s29 =	sadd.s32 $0x81000, s5;
	[dreg:$0x8] =	wrdreg s1;
	s9 =	sadd.s32 s0, s9  }
0x16: {  	s1 =	sadd.s32 s2, s14;
	s24 =	sshrl.u32 s23, $0x4;
	s31 =	sor.u32 s3, s29  }
0x17: {  	s23 =	sadd.s32 $0xC1800, s5;
	[dreg:$0x9] =	wrdreg s9;
	s9 =	sshrl.u32 s15, $0x4  }
0x18: {  	[dreg:$0xa] =	wrdreg s1;
	s1 =	sadd.s32 s2, s19;
	s15 =	sor.u32 s3, s13  }
0x19: {  	s17 =	sadd.s32 s0, s9;
	s9 =	sshrl.u32 s20, $0x4;
	[dreg:$0xc] =	wrdreg s1  }
0x1a: {  	s1 =	sadd.s32 s2, s24;
	s16 =	sshrl.u32 s15, $0x4;
	s20 =	sor.u32 s3, s18  }
0x1b: {  	s15 =	sadd.s32 s7, s23;
	[dreg:$0xb] =	wrdreg s17;
	s22 =	sadd.s32 s0, s9  }
0x1c: {  	s9 =	sshrl.u32 s26, $0x4;
	[dreg:$0xe] =	wrdreg s1;
	s17 =	sadd.s32 s7, s29  }
0x1d: {  	s21 =	sshrl.u32 s20, $0x4;
	s26 =	sor.u32 s3, s23;
	[dreg:$0xd] =	wrdreg s22  }
0x1e: {  	s30 =	sadd.s32 s0, s9;
	s9 =	sshrl.u32 s31, $0x4;
	s22 =	sadd.s32 s7, s13  }
0x1f: {  	s29 =	sshrl.u32 s26, $0x4;
	s31 =	sadd.s32 $0xD7000, s5;
	[dreg:$0xf] =	wrdreg s30  }
0x20: {  	s1 =	sadd.s32 s2, s9;
	s9 =	sshrl.u32 s10, $0x4;
	s30 =	sadd.s32 s7, s18  }
0x21: {  	s13 =	sor.u32 s3, s31;
	[dreg:$0x10] =	wrdreg s1;
	s14 =	sadd.s32 s0, s9  }
0x22: {  	s20 =	sadd.s32 s7, s31;
	s1 =	sadd.s32 s2, s16;
	[dreg:$0x11] =	wrdreg s14  }
0x23: {  	s9 =	sshrl.u32 s17, $0x4;
	s16 =	sadd.s32 $0xEC800, s5;
	[dreg:$0x12] =	wrdreg s1  }
0x24: {  	s19 =	sadd.s32 s0, s9;
	s1 =	sadd.s32 s2, s21;
	s9 =	sshrl.u32 s22, $0x4  }
0x25: {  	s14 =	sshrl.u32 s13, $0x4;
	s18 =	sor.u32 s3, s16;
	s21 =	sadd.s32 $0x102000, s5  }
0x26: {  	s26 =	sadd.s32 s7, s16;
	s13 =	sadd.s32 s8, s6;
	[dreg:$0x13] =	wrdreg s19  }
0x27: {  	[dreg:$0x14] =	wrdreg s1;
	s24 =	sadd.s32 s0, s9;
	s1 =	sadd.s32 s2, s29  }
0x28: {  	s9 =	sshrl.u32 s30, $0x4;
	s19 =	sshrl.u32 s18, $0x4;
	[dreg:$0x15] =	wrdreg s24  }
0x29: {  	s23 =	sor.u32 s3, s21;
	s29 =	sadd.s32 $0x117800, s5;
	[dreg:$0x16] =	wrdreg s1  }
0x2a: {  	s9 =	sadd.s32 s0, s9;
	s1 =	sadd.s32 s2, s14;
	s24 =	sshrl.u32 s23, $0x4  }
0x2b: {  	s31 =	sor.u32 s3, s29;
	s16 =	sadd.s32 s7, s29;
	[dreg:$0x17] =	wrdreg s9  }
0x2c: {  	s9 =	sshrl.u32 s15, $0x4;
	[dreg:$0x18] =	wrdreg s1;
	s1 =	sadd.s32 s2, s19  }
0x2d: {  	s6 =	sshrl.u32 s31, $0x4;
	s15 =	sor.u32 s3, s12;
	s18 =	sshrl.u32 s16, $0x4  }
0x2e: {  	s16 =	sadd.s32 s8, s4;
	s8 =	sadd.s32 $0x158000, s5;
	s31 =	sadd.s32 $0x1C3800, s5  }
0x2f: {  	s12 =	sadd.s32 s7, s12;
	s17 =	sadd.s32 s0, s9;
	s9 =	sshrl.u32 s20, $0x4  }
0x30: {  	[dreg:$0x1a] =	wrdreg s1;
	s1 =	sadd.s32 s2, s24;
	s19 =	sadd.s32 s0, s18  }
0x31: {  	s18 =	sadd.s32 $0x198800, s5;
	s12 =	sshrl.u32 s12, $0x4;
	[dreg:$0x19] =	wrdreg s17  }
0x32: {  	s22 =	sadd.s32 s0, s9;
	s9 =	sshrl.u32 s26, $0x4;
	[dreg:$0x1c] =	wrdreg s1  }
0x33: {  	s1 =	sadd.s32 s2, s6;
	s6 =	sshrl.u32 s15, $0x4;
	[smem:$0x7FC] =	sst s19  }
0x34: {  	s19 =	sadd.s32 $0x1AE000, s5;
	s29 =	sor.u32 s3, s18;
	s18 =	sadd.s32 s7, s18  }
0x35: {  	[dreg:$0x1b] =	wrdreg s22;
	s30 =	sadd.s32 s0, s9;
	s9 =	sadd.s32 s7, s21  }
0x36: {  	[dreg:$0x1e] =	wrdreg s1;
	s17 =	sadd.s32 s2, s6;
	s21 =	sor.u32 s3, s8  }
0x37: {  	s8 =	sadd.s32 s7, s8;
	[dreg:$0x1d] =	wrdreg s30;
	s14 =	sshrl.u32 s9, $0x4  }
0x38: {  	[smem:$0x7FB] =	sst s17;
	s17 =	sadd.s32 $0x16D800, s5;
	s23 =	sshrl.u32 s21, $0x4  }
0x39: {  	s30 =	sshrl.u32 s29, $0x4;
	s21 =	sor.u32 s3, s31;
	s29 =	sadd.s32 s7, s31  }
0x3a: {  	s8 =	sshrl.u32 s8, $0x4;
	s1 =	sadd.s32 s0, s14;
	s14 =	sadd.s32 $0x142800, s5  }
0x3b: {  	s22 =	sor.u32 s3, s17;
	s15 =	sadd.s32 s2, s23;
	s6 =	sadd.s32 s2, s30  }
0x3c: {  	s23 =	sadd.s32 $0x1EE800, s5;
	s21 =	sshrl.u32 s21, $0x4;
	s17 =	sadd.s32 s7, s17  }
0x3d: {  	[dreg:$0x1f] =	wrdreg s1;
	s20 =	sor.u32 s3, s14;
	s24 =	sshrl.u32 s22, $0x4  }
0x3e: {  	s22 =	sadd.s32 $0x1D9000, s5;
	s14 =	sadd.s32 s7, s14;
	s31 =	sadd.s32 s7, s23  }
0x3f: {  	s1 =	sshrl.u32 s20, $0x4;
	s9 =	sadd.s32 s2, s24;
	s20 =	sor.u32 s3, s19  }
0x40: {  	s24 =	sor.u32 s3, s22;
	s19 =	sadd.s32 s7, s19;
	s30 =	sadd.s32 s7, s22  }
0x41: {  	s25 =	sshrl.u32 s14, $0x4;
	s14 =	sshrl.u32 s17, $0x4;
	s17 =	sshrl.u32 s18, $0x4  }
0x42: {  	s1 =	sadd.s32 s2, s1;
	s20 =	sshrl.u32 s20, $0x4;
	s25 =	sadd.s32 s0, s25  }
0x43: {  	s18 =	sshrl.u32 s19, $0x4;
	s19 =	sshrl.u32 s29, $0x4;
	s29 =	sshrl.u32 s30, $0x4  }
0x44: {  	s30 =	sshrl.u32 s31, $0x4;
	s31 =	smax.u32 s11, $0x1;
	s11 =	sshrl.u32 s16, $0x3  }
0x45: {  	s16 =	simm.s32 $0x2;
	[smem:$0x7FD] =	sst s1;
	s1 =	sadd.s32 $0x183000, s5  }
0x46: {  	s5 =	sadd.s32 s2, s21;
	s21 =	sshrl.u32 s24, $0x4;
	p1 =	sne.s32 s31, $0x1  }
0x47: {  	s26 =	sor.u32 s3, s1;
	s3 =	sor.u32 s3, s23;
	s1 =	sadd.s32 s7, s1  }
0x48: {  	s7 =	sor.u32 $0x1C01, s28;
	s23 =	sadd.s32 s0, s14;
	s14 =	sshrl.u32 s13, $0x3  }
0x49: {  	s13 =	simm.s32 $0x4;
	s4 =	sshrl.u32 s26, $0x4;
	s24 =	sshrl.u32 s3, $0x4  }
0x4a: {  	s3 =	sadd.s32 s2, s21;
	s26 =	sadd.s32 s0, s12;
	s1 =	sshrl.u32 s1, $0x4  }
.Ltmp0:
0x4b: {  	s21 =	sadd.s32 s0, s17;
	s17 =	sadd.s32 s0, s19;
	(pc) =	sbr.rel @!p1 .LBB2_3-.Ltmp0, $4  }
0x4c: {  	s12 =	sadd.s32 s0, s29;
	s19 =	simm.s32 $0x3;
	s10 =	sadd.s32 s2, s4  }
0x4d: {  	s4 =	sadd.s32 s2, s20;
	s2 =	sadd.s32 s2, s24;
	s24 =	sadd.s32 s0, s8  }
0x4e: {  	s22 =	sadd.s32 s0, s1;
	s20 =	sadd.s32 s0, s18;
	s8 =	sadd.s32 s0, s30  }
0x4f: {  	s18 =	simm.s32 $0x1;
	s0 =	sadd.s32 $0xFFFFFFFF, s31;
	s1 =	rddreg [dreg:$0x5]  }
0x50: {  	[spmem:s14], [sflag:s7] =	dma.local [hbm:s1], $0x1580  }
0x51: {  	s29 =	sor.u32 $0x1C02, s28;
	s1 =	rddreg [dreg:$0x6]  }
0x52: {  	[spmem:s11], [sflag:s29] =	dma.local [hbm:s1], $0x1580  }
0x53: {  	_ =	swait.ge [sflag:s18], $0x1580  }
0x54: {  	[sflag:s18] =	ssyncset.done $0x0  }
0x55: {  	s30 =	sor.u32 $0x1C03, s28;
	s1 =	rddreg [dreg:$0x7];
	[sflag:s18] =	ssyncadd.s32 $0xFFFFEA80  }
0x56: {  	[hbm:s1], [sflag:s30] =	dma.local [spmem:s14], $0x1580  }
0x57: {  	_ =	swait.ge [sflag:s19], $0x1580  }
0x58: {  	[sflag:s19] =	ssyncset.done $0x0  }
0x59: {  	s1 =	rddreg [dreg:$0x8];
	[sflag:s19] =	ssyncadd.s32 $0xFFFFEA80  }
0x5a: {  	[spmem:s14], [sflag:s7] =	dma.local [hbm:s1], $0x1580  }
0x5b: {  	_ =	swait.ge [sflag:s16], $0x1580  }
0x5c: {  	[sflag:s16] =	ssyncset.done $0x0  }
0x5d: {  	s31 =	sor.u32 $0x1C04, s28;
	s1 =	rddreg [dreg:$0x9];
	[sflag:s16] =	ssyncadd.s32 $0xFFFFEA80  }
0x5e: {  	[hbm:s1], [sflag:s31] =	dma.local [spmem:s11], $0x1580  }
0x5f: {  	_ =	swait.ge [sflag:s13], $0x1580  }
0x60: {  	[sflag:s13] =	ssyncset.done $0x0  }
0x61: {  	s1 =	rddreg [dreg:$0xa];
	[sflag:s13] =	ssyncadd.s32 $0xFFFFEA80  }
0x62: {  	[spmem:s11], [sflag:s29] =	dma.local [hbm:s1], $0x1580  }
0x63: {  	_ =	swait.ge [sflag:s18], $0x1580  }
0x64: {  	[sflag:s18] =	ssyncset.done $0x0  }
0x65: {  	s1 =	rddreg [dreg:$0xb];
	[sflag:s18] =	ssyncadd.s32 $0xFFFFEA80  }
0x66: {  	[hbm:s1], [sflag:s30] =	dma.local [spmem:s14], $0x1580  }
0x67: {  	_ =	swait.ge [sflag:s19], $0x1580  }
0x68: {  	[sflag:s19] =	ssyncset.done $0x0  }
0x69: {  	s1 =	rddreg [dreg:$0xc];
	[sflag:s19] =	ssyncadd.s32 $0xFFFFEA80  }
0x6a: {  	[spmem:s14], [sflag:s7] =	dma.local [hbm:s1], $0x1580  }
0x6b: {  	_ =	swait.ge [sflag:s16], $0x1580  }
0x6c: {  	[sflag:s16] =	ssyncset.done $0x0  }
0x6d: {  	s1 =	rddreg [dreg:$0xd];
	[sflag:s16] =	ssyncadd.s32 $0xFFFFEA80  }
0x6e: {  	[hbm:s1], [sflag:s31] =	dma.local [spmem:s11], $0x1580  }
0x6f: {  	_ =	swait.ge [sflag:s13], $0x1580  }
0x70: {  	[sflag:s13] =	ssyncset.done $0x0  }
0x71: {  	s1 =	rddreg [dreg:$0xe];
	[sflag:s13] =	ssyncadd.s32 $0xFFFFEA80  }
0x72: {  	[spmem:s11], [sflag:s29] =	dma.local [hbm:s1], $0x1580  }
0x73: {  	_ =	swait.ge [sflag:s18], $0x1580  }
0x74: {  	[sflag:s18] =	ssyncset.done $0x0  }
0x75: {  	s1 =	rddreg [dreg:$0xf];
	[sflag:s18] =	ssyncadd.s32 $0xFFFFEA80  }
0x76: {  	[hbm:s1], [sflag:s30] =	dma.local [spmem:s14], $0x1580  }
0x77: {  	_ =	swait.ge [sflag:s19], $0x1580  }
0x78: {  	[sflag:s19] =	ssyncset.done $0x0  }
0x79: {  	s1 =	rddreg [dreg:$0x10];
	[sflag:s19] =	ssyncadd.s32 $0xFFFFEA80  }
0x7a: {  	[spmem:s14], [sflag:s7] =	dma.local [hbm:s1], $0x1580  }
0x7b: {  	_ =	swait.ge [sflag:s16], $0x1580  }
0x7c: {  	[sflag:s16] =	ssyncset.done $0x0  }
0x7d: {  	s1 =	rddreg [dreg:$0x11];
	[sflag:s16] =	ssyncadd.s32 $0xFFFFEA80  }
0x7e: {  	[hbm:s1], [sflag:s31] =	dma.local [spmem:s11], $0x1580  }
0x7f: {  	_ =	swait.ge [sflag:s13], $0x1580  }
0x80: {  	[sflag:s13] =	ssyncset.done $0x0  }
0x81: {  	s1 =	rddreg [dreg:$0x12];
	[sflag:s13] =	ssyncadd.s32 $0xFFFFEA80  }
0x82: {  	[spmem:s11], [sflag:s29] =	dma.local [hbm:s1], $0x1580  }
0x83: {  	_ =	swait.ge [sflag:s18], $0x1580  }
0x84: {  	[sflag:s18] =	ssyncset.done $0x0  }
0x85: {  	s1 =	rddreg [dreg:$0x13];
	[sflag:s18] =	ssyncadd.s32 $0xFFFFEA80  }
0x86: {  	[hbm:s1], [sflag:s30] =	dma.local [spmem:s14], $0x1580  }
0x87: {  	_ =	swait.ge [sflag:s19], $0x1580  }
0x88: {  	[sflag:s19] =	ssyncset.done $0x0  }
0x89: {  	s1 =	rddreg [dreg:$0x14];
	[sflag:s19] =	ssyncadd.s32 $0xFFFFEA80  }
0x8a: {  	[spmem:s14], [sflag:s7] =	dma.local [hbm:s1], $0x1580  }
0x8b: {  	_ =	swait.ge [sflag:s16], $0x1580  }
0x8c: {  	[sflag:s16] =	ssyncset.done $0x0  }
0x8d: {  	s1 =	rddreg [dreg:$0x15];
	[sflag:s16] =	ssyncadd.s32 $0xFFFFEA80  }
0x8e: {  	[hbm:s1], [sflag:s31] =	dma.local [spmem:s11], $0x1580  }
0x8f: {  	_ =	swait.ge [sflag:s13], $0x1580  }
0x90: {  	[sflag:s13] =	ssyncset.done $0x0  }
0x91: {  	s1 =	rddreg [dreg:$0x16];
	[sflag:s13] =	ssyncadd.s32 $0xFFFFEA80  }
0x92: {  	[spmem:s11], [sflag:s29] =	dma.local [hbm:s1], $0x1580  }
0x93: {  	_ =	swait.ge [sflag:s18], $0x1580  }
0x94: {  	[sflag:s18] =	ssyncset.done $0x0  }
0x95: {  	s1 =	rddreg [dreg:$0x17];
	[sflag:s18] =	ssyncadd.s32 $0xFFFFEA80  }
0x96: {  	[hbm:s1], [sflag:s30] =	dma.local [spmem:s14], $0x1580  }
0x97: {  	_ =	swait.ge [sflag:s19], $0x1580  }
0x98: {  	[sflag:s19] =	ssyncset.done $0x0  }
0x99: {  	s1 =	rddreg [dreg:$0x18];
	[sflag:s19] =	ssyncadd.s32 $0xFFFFEA80  }
0x9a: {  	[spmem:s14], [sflag:s7] =	dma.local [hbm:s1], $0x1580  }
0x9b: {  	_ =	swait.ge [sflag:s16], $0x1580  }
0x9c: {  	[sflag:s16] =	ssyncset.done $0x0  }
0x9d: {  	s1 =	rddreg [dreg:$0x19];
	[sflag:s16] =	ssyncadd.s32 $0xFFFFEA80  }
0x9e: {  	[hbm:s1], [sflag:s31] =	dma.local [spmem:s11], $0x1580  }
0x9f: {  	_ =	swait.ge [sflag:s13], $0x1580  }
0xa0: {  	[sflag:s13] =	ssyncset.done $0x0  }
0xa1: {  	s1 =	rddreg [dreg:$0x1a];
	[sflag:s13] =	ssyncadd.s32 $0xFFFFEA80  }
0xa2: {  	[spmem:s11], [sflag:s29] =	dma.local [hbm:s1], $0x1580  }
0xa3: {  	_ =	swait.ge [sflag:s18], $0x1580  }
0xa4: {  	[sflag:s18] =	ssyncset.done $0x0  }
0xa5: {  	s1 =	rddreg [dreg:$0x1b];
	[sflag:s18] =	ssyncadd.s32 $0xFFFFEA80  }
0xa6: {  	[hbm:s1], [sflag:s30] =	dma.local [spmem:s14], $0x1580  }
0xa7: {  	_ =	swait.ge [sflag:s19], $0x1580  }
0xa8: {  	[sflag:s19] =	ssyncset.done $0x0  }
0xa9: {  	s1 =	rddreg [dreg:$0x1c];
	[sflag:s19] =	ssyncadd.s32 $0xFFFFEA80  }
0xaa: {  	[spmem:s14], [sflag:s7] =	dma.local [hbm:s1], $0x1580  }
0xab: {  	_ =	swait.ge [sflag:s16], $0x1580  }
0xac: {  	[sflag:s16] =	ssyncset.done $0x0  }
0xad: {  	s1 =	rddreg [dreg:$0x1d];
	[sflag:s16] =	ssyncadd.s32 $0xFFFFEA80  }
0xae: {  	[hbm:s1], [sflag:s31] =	dma.local [spmem:s11], $0x1580  }
0xaf: {  	_ =	swait.ge [sflag:s13], $0x1580  }
0xb0: {  	[sflag:s13] =	ssyncset.done $0x0  }
0xb1: {  	s1 =	rddreg [dreg:$0x1e];
	[sflag:s13] =	ssyncadd.s32 $0xFFFFEA80  }
0xb2: {  	[spmem:s11], [sflag:s29] =	dma.local [hbm:s1], $0x1580  }
0xb3: {  	_ =	swait.ge [sflag:s18], $0x1580  }
0xb4: {  	[sflag:s18] =	ssyncset.done $0x0  }
0xb5: {  	s1 =	rddreg [dreg:$0x1f];
	[sflag:s18] =	ssyncadd.s32 $0xFFFFEA80  }
0xb6: {  	[hbm:s1], [sflag:s30] =	dma.local [spmem:s14], $0x1580  }
0xb7: {  	_ =	swait.ge [sflag:s19], $0x1580  }
0xb8: {  	s1 =	sld [smem:$0x7FB]  }
0xb9: {  	[sflag:s19] =	ssyncset.done $0x0  }
0xba: {  	[sflag:s19] =	ssyncadd.s32 $0xFFFFEA80  }
0xbb: {  	[spmem:s14], [sflag:s7] =	dma.local [hbm:s1], $0x1580  }
0xbc: {  	_ =	swait.ge [sflag:s16], $0x1580  }
0xbd: {  	s1 =	sld [smem:$0x7FC]  }
0xbe: {  	[sflag:s16] =	ssyncset.done $0x0  }
0xbf: {  	[sflag:s16] =	ssyncadd.s32 $0xFFFFEA80  }
0xc0: {  	[hbm:s1], [sflag:s31] =	dma.local [spmem:s11], $0x1580  }
0xc1: {  	_ =	swait.ge [sflag:s13], $0x1580  }
0xc2: {  	s1 =	sld [smem:$0x7FD]  }
0xc3: {  	[sflag:s13] =	ssyncset.done $0x0  }
0xc4: {  	[sflag:s13] =	ssyncadd.s32 $0xFFFFEA80  }
0xc5: {  	[spmem:s11], [sflag:s29] =	dma.local [hbm:s1], $0x1580  }
0xc6: {  	_ =	swait.ge [sflag:s18], $0x1580  }
0xc7: {  	[sflag:s18] =	ssyncset.done $0x0  }
0xc8: {  	[sflag:s18] =	ssyncadd.s32 $0xFFFFEA80  }
0xc9: {  	[hbm:s26], [sflag:s30] =	dma.local [spmem:s14], $0x1580  }
0xca: {  	_ =	swait.ge [sflag:s19], $0x1580  }
0xcb: {  	[sflag:s19] =	ssyncset.done $0x0  }
0xcc: {  	[sflag:s19] =	ssyncadd.s32 $0xFFFFEA80  }
0xcd: {  	[spmem:s14], [sflag:s7] =	dma.local [hbm:s15], $0x1580  }
0xce: {  	_ =	swait.ge [sflag:s16], $0x1580  }
0xcf: {  	[sflag:s16] =	ssyncset.done $0x0  }
0xd0: {  	[sflag:s16] =	ssyncadd.s32 $0xFFFFEA80  }
0xd1: {  	[hbm:s25], [sflag:s31] =	dma.local [spmem:s11], $0x1580  }
0xd2: {  	_ =	swait.ge [sflag:s13], $0x1580  }
0xd3: {  	[sflag:s13] =	ssyncset.done $0x0  }
0xd4: {  	[sflag:s13] =	ssyncadd.s32 $0xFFFFEA80  }
0xd5: {  	[spmem:s11], [sflag:s29] =	dma.local [hbm:s9], $0x1580  }
0xd6: {  	_ =	swait.ge [sflag:s18], $0x1580  }
0xd7: {  	[sflag:s18] =	ssyncset.done $0x0  }
0xd8: {  	[sflag:s18] =	ssyncadd.s32 $0xFFFFEA80  }
0xd9: {  	[hbm:s24], [sflag:s30] =	dma.local [spmem:s14], $0x1580  }
0xda: {  	_ =	swait.ge [sflag:s19], $0x1580  }
0xdb: {  	[sflag:s19] =	ssyncset.done $0x0  }
0xdc: {  	[sflag:s19] =	ssyncadd.s32 $0xFFFFEA80  }
0xdd: {  	[spmem:s14], [sflag:s7] =	dma.local [hbm:s10], $0x1580  }
0xde: {  	_ =	swait.ge [sflag:s16], $0x1580  }
0xdf: {  	[sflag:s16] =	ssyncset.done $0x0  }
0xe0: {  	[sflag:s16] =	ssyncadd.s32 $0xFFFFEA80  }
0xe1: {  	[hbm:s23], [sflag:s31] =	dma.local [spmem:s11], $0x1580  }
0xe2: {  	_ =	swait.ge [sflag:s13], $0x1580  }
0xe3: {  	[sflag:s13] =	ssyncset.done $0x0  }
0xe4: {  	[sflag:s13] =	ssyncadd.s32 $0xFFFFEA80  }
0xe5: {  	[spmem:s11], [sflag:s29] =	dma.local [hbm:s6], $0x1580  }
0xe6: {  	_ =	swait.ge [sflag:s18], $0x1580  }
0xe7: {  	[sflag:s18] =	ssyncset.done $0x0  }
0xe8: {  	[sflag:s18] =	ssyncadd.s32 $0xFFFFEA80  }
0xe9: {  	[hbm:s22], [sflag:s30] =	dma.local [spmem:s14], $0x1580  }
0xea: {  	_ =	swait.ge [sflag:s19], $0x1580  }
0xeb: {  	[sflag:s19] =	ssyncset.done $0x0  }
0xec: {  	[sflag:s19] =	ssyncadd.s32 $0xFFFFEA80  }
0xed: {  	[spmem:s14], [sflag:s7] =	dma.local [hbm:s4], $0x1580  }
0xee: {  	_ =	swait.ge [sflag:s16], $0x1580  }
0xef: {  	[sflag:s16] =	ssyncset.done $0x0  }
0xf0: {  	[sflag:s16] =	ssyncadd.s32 $0xFFFFEA80  }
0xf1: {  	[hbm:s21], [sflag:s31] =	dma.local [spmem:s11], $0x1580  }
0xf2: {  	_ =	swait.ge [sflag:s13], $0x1580  }
0xf3: {  	[sflag:s13] =	ssyncset.done $0x0  }
0xf4: {  	[sflag:s13] =	ssyncadd.s32 $0xFFFFEA80  }
0xf5: {  	[spmem:s11], [sflag:s29] =	dma.local [hbm:s5], $0x1580  }
0xf6: {  	_ =	swait.ge [sflag:s18], $0x1580  }
0xf7: {  	[sflag:s18] =	ssyncset.done $0x0  }
0xf8: {  	[sflag:s18] =	ssyncadd.s32 $0xFFFFEA80  }
0xf9: {  	[hbm:s20], [sflag:s30] =	dma.local [spmem:s14], $0x1580  }
0xfa: {  	_ =	swait.ge [sflag:s19], $0x1580  }
0xfb: {  	[sflag:s19] =	ssyncset.done $0x0  }
0xfc: {  	[sflag:s19] =	ssyncadd.s32 $0xFFFFEA80  }
0xfd: {  	[spmem:s14], [sflag:s7] =	dma.local [hbm:s3], $0x1580  }
0xfe: {  	_ =	swait.ge [sflag:s16], $0x1580  }
0xff: {  	[sflag:s16] =	ssyncset.done $0x0  }
0x100: {  	[sflag:s16] =	ssyncadd.s32 $0xFFFFEA80  }
0x101: {  	[hbm:s17], [sflag:s31] =	dma.local [spmem:s11], $0x1580  }
0x102: {  	_ =	swait.ge [sflag:s13], $0x1580  }
0x103: {  	[sflag:s13] =	ssyncset.done $0x0  }
0x104: {  	[sflag:s13] =	ssyncadd.s32 $0xFFFFEA80  }
0x105: {  	[spmem:s11], [sflag:s29] =	dma.local [hbm:s2], $0x1580  }
0x106: {  	_ =	swait.ge [sflag:s18], $0x1580  }
0x107: {  	[sflag:s18] =	ssyncset.done $0x0  }
0x108: {  	[sflag:s18] =	ssyncadd.s32 $0xFFFFEA80  }
0x109: {  	[hbm:s12], [sflag:s30] =	dma.local [spmem:s14], $0x1580  }
0x10a: {  	_ =	swait.ge [sflag:s19], $0x1580  }
0x10b: {  	[sflag:s19] =	ssyncset.done $0x0  }
0x10c: {  	[sflag:s19] =	ssyncadd.s32 $0xFFFFEA80  }
0x10d: {  	p1 =	sne.s32 s0, $0x1;
	_ =	swait.ge [sflag:s16], $0x1580  }
.Ltmp1:
0x10e: {  	[sflag:s16] =	ssyncset.done $0x0;
	(pc) =	sbr.rel @!p1 .LBB2_3-.Ltmp1, $4  }
0x10f: {  	[sflag:s16] =	ssyncadd.s32 $0xFFFFEA80  }
0x110: {  	[hbm:s8], [sflag:s31] =	dma.local [spmem:s11], $0x1580  }
0x111: {  	s0 =	sadd.s32 $0xFFFFFFFF, s0;
	_ =	swait.ge [sflag:s13], $0x1580  }
0x112: {  	p0 =	por $0x1, $0x1;
	s1 =	rddreg [dreg:$0x5];
	[sflag:s13] =	ssyncset.done $0x0  }
.LBB2_2:
0x113: {  	[sflag:s13] =	ssyncadd.s32 $0xFFFFEA80  }
0x114: {  	[spmem:s14], [sflag:s7] =	dma.local [hbm:s1], $0x1580  }
0x115: {  	s1 =	rddreg [dreg:$0x6]  }
0x116: {  	[spmem:s11], [sflag:s29] =	dma.local [hbm:s1], $0x1580  }
0x117: {  	_ =	swait.ge [sflag:s18], $0x1580  }
0x118: {  	[sflag:s18] =	ssyncset.done $0x0  }
0x119: {  	s1 =	rddreg [dreg:$0x7];
	[sflag:s18] =	ssyncadd.s32 $0xFFFFEA80  }
0x11a: {  	[hbm:s1], [sflag:s30] =	dma.local [spmem:s14], $0x1580  }
0x11b: {  	_ =	swait.ge [sflag:s19], $0x1580  }
0x11c: {  	[sflag:s19] =	ssyncset.done $0x0  }
0x11d: {  	s1 =	rddreg [dreg:$0x8];
	[sflag:s19] =	ssyncadd.s32 $0xFFFFEA80  }
0x11e: {  	[spmem:s14], [sflag:s7] =	dma.local [hbm:s1], $0x1580  }
0x11f: {  	_ =	swait.ge [sflag:s16], $0x1580  }
0x120: {  	[sflag:s16] =	ssyncset.done $0x0  }
0x121: {  	s1 =	rddreg [dreg:$0x9];
	[sflag:s16] =	ssyncadd.s32 $0xFFFFEA80  }
0x122: {  	[hbm:s1], [sflag:s31] =	dma.local [spmem:s11], $0x1580  }
0x123: {  	_ =	swait.ge [sflag:s13], $0x1580  }
0x124: {  	[sflag:s13] =	ssyncset.done $0x0  }
0x125: {  	s1 =	rddreg [dreg:$0xa];
	[sflag:s13] =	ssyncadd.s32 $0xFFFFEA80  }
0x126: {  	[spmem:s11], [sflag:s29] =	dma.local [hbm:s1], $0x1580  }
0x127: {  	_ =	swait.ge [sflag:s18], $0x1580  }
0x128: {  	[sflag:s18] =	ssyncset.done $0x0  }
0x129: {  	s1 =	rddreg [dreg:$0xb];
	[sflag:s18] =	ssyncadd.s32 $0xFFFFEA80  }
0x12a: {  	[hbm:s1], [sflag:s30] =	dma.local [spmem:s14], $0x1580  }
0x12b: {  	_ =	swait.ge [sflag:s19], $0x1580  }
0x12c: {  	[sflag:s19] =	ssyncset.done $0x0  }
0x12d: {  	s1 =	rddreg [dreg:$0xc];
	[sflag:s19] =	ssyncadd.s32 $0xFFFFEA80  }
0x12e: {  	[spmem:s14], [sflag:s7] =	dma.local [hbm:s1], $0x1580  }
0x12f: {  	_ =	swait.ge [sflag:s16], $0x1580  }
0x130: {  	[sflag:s16] =	ssyncset.done $0x0  }
0x131: {  	s1 =	rddreg [dreg:$0xd];
	[sflag:s16] =	ssyncadd.s32 $0xFFFFEA80  }
0x132: {  	[hbm:s1], [sflag:s31] =	dma.local [spmem:s11], $0x1580  }
0x133: {  	_ =	swait.ge [sflag:s13], $0x1580  }
0x134: {  	[sflag:s13] =	ssyncset.done $0x0  }
0x135: {  	s1 =	rddreg [dreg:$0xe];
	[sflag:s13] =	ssyncadd.s32 $0xFFFFEA80  }
0x136: {  	[spmem:s11], [sflag:s29] =	dma.local [hbm:s1], $0x1580  }
0x137: {  	_ =	swait.ge [sflag:s18], $0x1580  }
0x138: {  	[sflag:s18] =	ssyncset.done $0x0  }
0x139: {  	s1 =	rddreg [dreg:$0xf];
	[sflag:s18] =	ssyncadd.s32 $0xFFFFEA80  }
0x13a: {  	[hbm:s1], [sflag:s30] =	dma.local [spmem:s14], $0x1580  }
0x13b: {  	_ =	swait.ge [sflag:s19], $0x1580  }
0x13c: {  	[sflag:s19] =	ssyncset.done $0x0  }
0x13d: {  	s1 =	rddreg [dreg:$0x10];
	[sflag:s19] =	ssyncadd.s32 $0xFFFFEA80  }
0x13e: {  	[spmem:s14], [sflag:s7] =	dma.local [hbm:s1], $0x1580  }
0x13f: {  	_ =	swait.ge [sflag:s16], $0x1580  }
0x140: {  	[sflag:s16] =	ssyncset.done $0x0  }
0x141: {  	s1 =	rddreg [dreg:$0x11];
	[sflag:s16] =	ssyncadd.s32 $0xFFFFEA80  }
0x142: {  	[hbm:s1], [sflag:s31] =	dma.local [spmem:s11], $0x1580  }
0x143: {  	_ =	swait.ge [sflag:s13], $0x1580  }
0x144: {  	[sflag:s13] =	ssyncset.done $0x0  }
0x145: {  	s1 =	rddreg [dreg:$0x12];
	[sflag:s13] =	ssyncadd.s32 $0xFFFFEA80  }
0x146: {  	[spmem:s11], [sflag:s29] =	dma.local [hbm:s1], $0x1580  }
0x147: {  	_ =	swait.ge [sflag:s18], $0x1580  }
0x148: {  	[sflag:s18] =	ssyncset.done $0x0  }
0x149: {  	s1 =	rddreg [dreg:$0x13];
	[sflag:s18] =	ssyncadd.s32 $0xFFFFEA80  }
0x14a: {  	[hbm:s1], [sflag:s30] =	dma.local [spmem:s14], $0x1580  }
0x14b: {  	_ =	swait.ge [sflag:s19], $0x1580  }
0x14c: {  	[sflag:s19] =	ssyncset.done $0x0  }
0x14d: {  	s1 =	rddreg [dreg:$0x14];
	[sflag:s19] =	ssyncadd.s32 $0xFFFFEA80  }
0x14e: {  	[spmem:s14], [sflag:s7] =	dma.local [hbm:s1], $0x1580  }
0x14f: {  	_ =	swait.ge [sflag:s16], $0x1580  }
0x150: {  	[sflag:s16] =	ssyncset.done $0x0  }
0x151: {  	s1 =	rddreg [dreg:$0x15];
	[sflag:s16] =	ssyncadd.s32 $0xFFFFEA80  }
0x152: {  	[hbm:s1], [sflag:s31] =	dma.local [spmem:s11], $0x1580  }
0x153: {  	_ =	swait.ge [sflag:s13], $0x1580  }
0x154: {  	[sflag:s13] =	ssyncset.done $0x0  }
0x155: {  	s1 =	rddreg [dreg:$0x16];
	[sflag:s13] =	ssyncadd.s32 $0xFFFFEA80  }
0x156: {  	[spmem:s11], [sflag:s29] =	dma.local [hbm:s1], $0x1580  }
0x157: {  	_ =	swait.ge [sflag:s18], $0x1580  }
0x158: {  	[sflag:s18] =	ssyncset.done $0x0  }
0x159: {  	s1 =	rddreg [dreg:$0x17];
	[sflag:s18] =	ssyncadd.s32 $0xFFFFEA80  }
0x15a: {  	[hbm:s1], [sflag:s30] =	dma.local [spmem:s14], $0x1580  }
0x15b: {  	_ =	swait.ge [sflag:s19], $0x1580  }
0x15c: {  	[sflag:s19] =	ssyncset.done $0x0  }
0x15d: {  	s1 =	rddreg [dreg:$0x18];
	[sflag:s19] =	ssyncadd.s32 $0xFFFFEA80  }
0x15e: {  	[spmem:s14], [sflag:s7] =	dma.local [hbm:s1], $0x1580  }
0x15f: {  	_ =	swait.ge [sflag:s16], $0x1580  }
0x160: {  	[sflag:s16] =	ssyncset.done $0x0  }
0x161: {  	s1 =	rddreg [dreg:$0x19];
	[sflag:s16] =	ssyncadd.s32 $0xFFFFEA80  }
0x162: {  	[hbm:s1], [sflag:s31] =	dma.local [spmem:s11], $0x1580  }
0x163: {  	_ =	swait.ge [sflag:s13], $0x1580  }
0x164: {  	[sflag:s13] =	ssyncset.done $0x0  }
0x165: {  	s1 =	rddreg [dreg:$0x1a];
	[sflag:s13] =	ssyncadd.s32 $0xFFFFEA80  }
0x166: {  	[spmem:s11], [sflag:s29] =	dma.local [hbm:s1], $0x1580  }
0x167: {  	_ =	swait.ge [sflag:s18], $0x1580  }
0x168: {  	[sflag:s18] =	ssyncset.done $0x0  }
0x169: {  	s1 =	rddreg [dreg:$0x1b];
	[sflag:s18] =	ssyncadd.s32 $0xFFFFEA80  }
0x16a: {  	[hbm:s1], [sflag:s30] =	dma.local [spmem:s14], $0x1580  }
0x16b: {  	_ =	swait.ge [sflag:s19], $0x1580  }
0x16c: {  	[sflag:s19] =	ssyncset.done $0x0  }
0x16d: {  	s1 =	rddreg [dreg:$0x1c];
	[sflag:s19] =	ssyncadd.s32 $0xFFFFEA80  }
0x16e: {  	[spmem:s14], [sflag:s7] =	dma.local [hbm:s1], $0x1580  }
0x16f: {  	_ =	swait.ge [sflag:s16], $0x1580  }
0x170: {  	[sflag:s16] =	ssyncset.done $0x0  }
0x171: {  	s1 =	rddreg [dreg:$0x1d];
	[sflag:s16] =	ssyncadd.s32 $0xFFFFEA80  }
0x172: {  	[hbm:s1], [sflag:s31] =	dma.local [spmem:s11], $0x1580  }
0x173: {  	_ =	swait.ge [sflag:s13], $0x1580  }
0x174: {  	[sflag:s13] =	ssyncset.done $0x0  }
0x175: {  	s1 =	rddreg [dreg:$0x1e];
	[sflag:s13] =	ssyncadd.s32 $0xFFFFEA80  }
0x176: {  	[spmem:s11], [sflag:s29] =	dma.local [hbm:s1], $0x1580  }
0x177: {  	_ =	swait.ge [sflag:s18], $0x1580  }
0x178: {  	[sflag:s18] =	ssyncset.done $0x0  }
0x179: {  	s1 =	rddreg [dreg:$0x1f];
	[sflag:s18] =	ssyncadd.s32 $0xFFFFEA80  }
0x17a: {  	[hbm:s1], [sflag:s30] =	dma.local [spmem:s14], $0x1580  }
0x17b: {  	_ =	swait.ge [sflag:s19], $0x1580  }
0x17c: {  	s1 =	sld [smem:$0x7FB]  }
0x17d: {  	[sflag:s19] =	ssyncset.done $0x0  }
0x17e: {  	[sflag:s19] =	ssyncadd.s32 $0xFFFFEA80  }
0x17f: {  	[spmem:s14], [sflag:s7] =	dma.local [hbm:s1], $0x1580  }
0x180: {  	_ =	swait.ge [sflag:s16], $0x1580  }
0x181: {  	s1 =	sld [smem:$0x7FC]  }
0x182: {  	[sflag:s16] =	ssyncset.done $0x0  }
0x183: {  	[sflag:s16] =	ssyncadd.s32 $0xFFFFEA80  }
0x184: {  	[hbm:s1], [sflag:s31] =	dma.local [spmem:s11], $0x1580  }
0x185: {  	_ =	swait.ge [sflag:s13], $0x1580  }
0x186: {  	s1 =	sld [smem:$0x7FD]  }
0x187: {  	[sflag:s13] =	ssyncset.done $0x0  }
0x188: {  	[sflag:s13] =	ssyncadd.s32 $0xFFFFEA80  }
0x189: {  	[spmem:s11], [sflag:s29] =	dma.local [hbm:s1], $0x1580  }
0x18a: {  	_ =	swait.ge [sflag:s18], $0x1580  }
0x18b: {  	[sflag:s18] =	ssyncset.done $0x0  }
0x18c: {  	[sflag:s18] =	ssyncadd.s32 $0xFFFFEA80  }
0x18d: {  	[hbm:s26], [sflag:s30] =	dma.local [spmem:s14], $0x1580  }
0x18e: {  	_ =	swait.ge [sflag:s19], $0x1580  }
0x18f: {  	[sflag:s19] =	ssyncset.done $0x0  }
0x190: {  	[sflag:s19] =	ssyncadd.s32 $0xFFFFEA80  }
0x191: {  	[spmem:s14], [sflag:s7] =	dma.local [hbm:s15], $0x1580  }
0x192: {  	_ =	swait.ge [sflag:s16], $0x1580  }
0x193: {  	[sflag:s16] =	ssyncset.done $0x0  }
0x194: {  	[sflag:s16] =	ssyncadd.s32 $0xFFFFEA80  }
0x195: {  	[hbm:s25], [sflag:s31] =	dma.local [spmem:s11], $0x1580  }
0x196: {  	_ =	swait.ge [sflag:s13], $0x1580  }
0x197: {  	[sflag:s13] =	ssyncset.done $0x0  }
0x198: {  	[sflag:s13] =	ssyncadd.s32 $0xFFFFEA80  }
0x199: {  	[spmem:s11], [sflag:s29] =	dma.local [hbm:s9], $0x1580  }
0x19a: {  	_ =	swait.ge [sflag:s18], $0x1580  }
0x19b: {  	[sflag:s18] =	ssyncset.done $0x0  }
0x19c: {  	[sflag:s18] =	ssyncadd.s32 $0xFFFFEA80  }
0x19d: {  	[hbm:s24], [sflag:s30] =	dma.local [spmem:s14], $0x1580  }
0x19e: {  	_ =	swait.ge [sflag:s19], $0x1580  }
0x19f: {  	[sflag:s19] =	ssyncset.done $0x0  }
0x1a0: {  	[sflag:s19] =	ssyncadd.s32 $0xFFFFEA80  }
0x1a1: {  	[spmem:s14], [sflag:s7] =	dma.local [hbm:s10], $0x1580  }
0x1a2: {  	_ =	swait.ge [sflag:s16], $0x1580  }
0x1a3: {  	[sflag:s16] =	ssyncset.done $0x0  }
0x1a4: {  	[sflag:s16] =	ssyncadd.s32 $0xFFFFEA80  }
0x1a5: {  	[hbm:s23], [sflag:s31] =	dma.local [spmem:s11], $0x1580  }
0x1a6: {  	_ =	swait.ge [sflag:s13], $0x1580  }
0x1a7: {  	[sflag:s13] =	ssyncset.done $0x0  }
0x1a8: {  	[sflag:s13] =	ssyncadd.s32 $0xFFFFEA80  }
0x1a9: {  	[spmem:s11], [sflag:s29] =	dma.local [hbm:s6], $0x1580  }
0x1aa: {  	_ =	swait.ge [sflag:s18], $0x1580  }
0x1ab: {  	[sflag:s18] =	ssyncset.done $0x0  }
0x1ac: {  	[sflag:s18] =	ssyncadd.s32 $0xFFFFEA80  }
0x1ad: {  	[hbm:s22], [sflag:s30] =	dma.local [spmem:s14], $0x1580  }
0x1ae: {  	_ =	swait.ge [sflag:s19], $0x1580  }
0x1af: {  	[sflag:s19] =	ssyncset.done $0x0  }
0x1b0: {  	[sflag:s19] =	ssyncadd.s32 $0xFFFFEA80  }
0x1b1: {  	[spmem:s14], [sflag:s7] =	dma.local [hbm:s4], $0x1580  }
0x1b2: {  	_ =	swait.ge [sflag:s16], $0x1580  }
0x1b3: {  	[sflag:s16] =	ssyncset.done $0x0  }
0x1b4: {  	[sflag:s16] =	ssyncadd.s32 $0xFFFFEA80  }
0x1b5: {  	[hbm:s21], [sflag:s31] =	dma.local [spmem:s11], $0x1580  }
0x1b6: {  	_ =	swait.ge [sflag:s13], $0x1580  }
0x1b7: {  	[sflag:s13] =	ssyncset.done $0x0  }
0x1b8: {  	[sflag:s13] =	ssyncadd.s32 $0xFFFFEA80  }
0x1b9: {  	[spmem:s11], [sflag:s29] =	dma.local [hbm:s5], $0x1580  }
0x1ba: {  	_ =	swait.ge [sflag:s18], $0x1580  }
0x1bb: {  	[sflag:s18] =	ssyncset.done $0x0  }
0x1bc: {  	[sflag:s18] =	ssyncadd.s32 $0xFFFFEA80  }
0x1bd: {  	[hbm:s20], [sflag:s30] =	dma.local [spmem:s14], $0x1580  }
0x1be: {  	_ =	swait.ge [sflag:s19], $0x1580  }
0x1bf: {  	[sflag:s19] =	ssyncset.done $0x0  }
0x1c0: {  	[sflag:s19] =	ssyncadd.s32 $0xFFFFEA80  }
0x1c1: {  	[spmem:s14], [sflag:s7] =	dma.local [hbm:s3], $0x1580  }
0x1c2: {  	_ =	swait.ge [sflag:s16], $0x1580  }
0x1c3: {  	[sflag:s16] =	ssyncset.done $0x0  }
0x1c4: {  	[sflag:s16] =	ssyncadd.s32 $0xFFFFEA80  }
0x1c5: {  	[hbm:s17], [sflag:s31] =	dma.local [spmem:s11], $0x1580  }
0x1c6: {  	_ =	swait.ge [sflag:s13], $0x1580  }
0x1c7: {  	[sflag:s13] =	ssyncset.done $0x0  }
0x1c8: {  	[sflag:s13] =	ssyncadd.s32 $0xFFFFEA80  }
0x1c9: {  	[spmem:s11], [sflag:s29] =	dma.local [hbm:s2], $0x1580  }
0x1ca: {  	_ =	swait.ge [sflag:s18], $0x1580  }
0x1cb: {  	[sflag:s18] =	ssyncset.done $0x0  }
0x1cc: {  	[sflag:s18] =	ssyncadd.s32 $0xFFFFEA80  }
0x1cd: {  	[hbm:s12], [sflag:s30] =	dma.local [spmem:s14], $0x1580  }
0x1ce: {  	_ =	swait.ge [sflag:s19], $0x1580  }
0x1cf: {  	[sflag:s19] =	ssyncset.done $0x0  }
0x1d0: {  	[sflag:s19] =	ssyncadd.s32 $0xFFFFEA80  }
0x1d1: {  	p1 =	sne.s32 s0, $0x1;
	_ =	swait.ge [sflag:s16], $0x1580  }
.Ltmp2:
0x1d2: {  	[sflag:s16] =	ssyncset.done $0x0;
	(pc) =	sbr.rel @p1 .LBB2_2-.Ltmp2, $4  }
0x1d3: {  	[sflag:s16] =	ssyncadd.s32 $0xFFFFEA80  }
0x1d4: {  	[hbm:s8], [sflag:s31] =	dma.local [spmem:s11], $0x1580  }
0x1d5: {  	_ =	swait.ge [sflag:s13], $0x1580  }
0x1d6: {  	s0 =	sadd.s32 $0xFFFFFFFF, s0;
	s1 =	rddreg [dreg:$0x5];
	[sflag:s13] =	ssyncset.done $0x0  }
.LBB2_3:
0x1d7: {  	[sflag:s13] =	ssyncadd.s32 @p0 $0xFFFFEA80  }
0x1d8: {  	[spmem:s14], [sflag:s7] =	dma.local [hbm:s1], $0x1580  }
0x1d9: {  	s0 =	sor.u32 $0x1C02, s28;
	s1 =	rddreg [dreg:$0x6]  }
0x1da: {  	[spmem:s11], [sflag:s0] =	dma.local [hbm:s1], $0x1580  }
0x1db: {  	_ =	swait.ge [sflag:s18], $0x1580  }
0x1dc: {  	[sflag:s18] =	ssyncset.done $0x0  }
0x1dd: {  	s29 =	sor.u32 $0x1C03, s28;
	s31 =	rddreg [dreg:$0x7];
	[sflag:s18] =	ssyncadd.s32 $0xFFFFEA80  }
0x1de: {  	[hbm:s31], [sflag:s29] =	dma.local [spmem:s14], $0x1580  }
0x1df: {  	_ =	swait.ge [sflag:s19], $0x1580  }
0x1e0: {  	[sflag:s19] =	ssyncset.done $0x0  }
0x1e1: {  	s30 =	rddreg [dreg:$0x8];
	[sflag:s19] =	ssyncadd.s32 $0xFFFFEA80  }
0x1e2: {  	[spmem:s14], [sflag:s7] =	dma.local [hbm:s30], $0x1580  }
0x1e3: {  	_ =	swait.ge [sflag:s16], $0x1580  }
0x1e4: {  	[sflag:s16] =	ssyncset.done $0x0  }
0x1e5: {  	s28 =	sor.u32 $0x1C04, s28;
	s31 =	rddreg [dreg:$0x9];
	[sflag:s16] =	ssyncadd.s32 $0xFFFFEA80  }
0x1e6: {  	[hbm:s31], [sflag:s28] =	dma.local [spmem:s11], $0x1580  }
0x1e7: {  	_ =	swait.ge [sflag:s13], $0x1580  }
0x1e8: {  	[sflag:s13] =	ssyncset.done $0x0  }
0x1e9: {  	s30 =	rddreg [dreg:$0xa];
	[sflag:s13] =	ssyncadd.s32 $0xFFFFEA80  }
0x1ea: {  	[spmem:s11], [sflag:s0] =	dma.local [hbm:s30], $0x1580  }
0x1eb: {  	_ =	swait.ge [sflag:s18], $0x1580  }
0x1ec: {  	[sflag:s18] =	ssyncset.done $0x0  }
0x1ed: {  	s31 =	rddreg [dreg:$0xb];
	[sflag:s18] =	ssyncadd.s32 $0xFFFFEA80  }
0x1ee: {  	[hbm:s31], [sflag:s29] =	dma.local [spmem:s14], $0x1580  }
0x1ef: {  	_ =	swait.ge [sflag:s19], $0x1580  }
0x1f0: {  	[sflag:s19] =	ssyncset.done $0x0  }
0x1f1: {  	s30 =	rddreg [dreg:$0xc];
	[sflag:s19] =	ssyncadd.s32 $0xFFFFEA80  }
0x1f2: {  	[spmem:s14], [sflag:s7] =	dma.local [hbm:s30], $0x1580  }
0x1f3: {  	_ =	swait.ge [sflag:s16], $0x1580  }
0x1f4: {  	[sflag:s16] =	ssyncset.done $0x0  }
0x1f5: {  	s31 =	rddreg [dreg:$0xd];
	[sflag:s16] =	ssyncadd.s32 $0xFFFFEA80  }
0x1f6: {  	[hbm:s31], [sflag:s28] =	dma.local [spmem:s11], $0x1580  }
0x1f7: {  	_ =	swait.ge [sflag:s13], $0x1580  }
0x1f8: {  	[sflag:s13] =	ssyncset.done $0x0  }
0x1f9: {  	s30 =	rddreg [dreg:$0xe];
	[sflag:s13] =	ssyncadd.s32 $0xFFFFEA80  }
0x1fa: {  	[spmem:s11], [sflag:s0] =	dma.local [hbm:s30], $0x1580  }
0x1fb: {  	_ =	swait.ge [sflag:s18], $0x1580  }
0x1fc: {  	[sflag:s18] =	ssyncset.done $0x0  }
0x1fd: {  	s31 =	rddreg [dreg:$0xf];
	[sflag:s18] =	ssyncadd.s32 $0xFFFFEA80  }
0x1fe: {  	[hbm:s31], [sflag:s29] =	dma.local [spmem:s14], $0x1580  }
0x1ff: {  	_ =	swait.ge [sflag:s19], $0x1580  }
0x200: {  	[sflag:s19] =	ssyncset.done $0x0  }
0x201: {  	s30 =	rddreg [dreg:$0x10];
	[sflag:s19] =	ssyncadd.s32 $0xFFFFEA80  }
0x202: {  	[spmem:s14], [sflag:s7] =	dma.local [hbm:s30], $0x1580  }
0x203: {  	_ =	swait.ge [sflag:s16], $0x1580  }
0x204: {  	[sflag:s16] =	ssyncset.done $0x0  }
0x205: {  	s31 =	rddreg [dreg:$0x11];
	[sflag:s16] =	ssyncadd.s32 $0xFFFFEA80  }
0x206: {  	[hbm:s31], [sflag:s28] =	dma.local [spmem:s11], $0x1580  }
0x207: {  	_ =	swait.ge [sflag:s13], $0x1580  }
0x208: {  	[sflag:s13] =	ssyncset.done $0x0  }
0x209: {  	s30 =	rddreg [dreg:$0x12];
	[sflag:s13] =	ssyncadd.s32 $0xFFFFEA80  }
0x20a: {  	[spmem:s11], [sflag:s0] =	dma.local [hbm:s30], $0x1580  }
0x20b: {  	_ =	swait.ge [sflag:s18], $0x1580  }
0x20c: {  	[sflag:s18] =	ssyncset.done $0x0  }
0x20d: {  	s31 =	rddreg [dreg:$0x13];
	[sflag:s18] =	ssyncadd.s32 $0xFFFFEA80  }
0x20e: {  	[hbm:s31], [sflag:s29] =	dma.local [spmem:s14], $0x1580  }
0x20f: {  	_ =	swait.ge [sflag:s19], $0x1580  }
0x210: {  	[sflag:s19] =	ssyncset.done $0x0  }
0x211: {  	s30 =	rddreg [dreg:$0x14];
	[sflag:s19] =	ssyncadd.s32 $0xFFFFEA80  }
0x212: {  	[spmem:s14], [sflag:s7] =	dma.local [hbm:s30], $0x1580  }
0x213: {  	_ =	swait.ge [sflag:s16], $0x1580  }
0x214: {  	[sflag:s16] =	ssyncset.done $0x0  }
0x215: {  	s31 =	rddreg [dreg:$0x15];
	[sflag:s16] =	ssyncadd.s32 $0xFFFFEA80  }
0x216: {  	[hbm:s31], [sflag:s28] =	dma.local [spmem:s11], $0x1580  }
0x217: {  	_ =	swait.ge [sflag:s13], $0x1580  }
0x218: {  	[sflag:s13] =	ssyncset.done $0x0  }
0x219: {  	s30 =	rddreg [dreg:$0x16];
	[sflag:s13] =	ssyncadd.s32 $0xFFFFEA80  }
0x21a: {  	[spmem:s11], [sflag:s0] =	dma.local [hbm:s30], $0x1580  }
0x21b: {  	_ =	swait.ge [sflag:s18], $0x1580  }
0x21c: {  	[sflag:s18] =	ssyncset.done $0x0  }
0x21d: {  	s31 =	rddreg [dreg:$0x17];
	[sflag:s18] =	ssyncadd.s32 $0xFFFFEA80  }
0x21e: {  	[hbm:s31], [sflag:s29] =	dma.local [spmem:s14], $0x1580  }
0x21f: {  	_ =	swait.ge [sflag:s19], $0x1580  }
0x220: {  	[sflag:s19] =	ssyncset.done $0x0  }
0x221: {  	s30 =	rddreg [dreg:$0x18];
	[sflag:s19] =	ssyncadd.s32 $0xFFFFEA80  }
0x222: {  	[spmem:s14], [sflag:s7] =	dma.local [hbm:s30], $0x1580  }
0x223: {  	_ =	swait.ge [sflag:s16], $0x1580  }
0x224: {  	[sflag:s16] =	ssyncset.done $0x0  }
0x225: {  	s31 =	rddreg [dreg:$0x19];
	[sflag:s16] =	ssyncadd.s32 $0xFFFFEA80  }
0x226: {  	[hbm:s31], [sflag:s28] =	dma.local [spmem:s11], $0x1580  }
0x227: {  	_ =	swait.ge [sflag:s13], $0x1580  }
0x228: {  	[sflag:s13] =	ssyncset.done $0x0  }
0x229: {  	s30 =	rddreg [dreg:$0x1a];
	[sflag:s13] =	ssyncadd.s32 $0xFFFFEA80  }
0x22a: {  	[spmem:s11], [sflag:s0] =	dma.local [hbm:s30], $0x1580  }
0x22b: {  	_ =	swait.ge [sflag:s18], $0x1580  }
0x22c: {  	[sflag:s18] =	ssyncset.done $0x0  }
0x22d: {  	s31 =	rddreg [dreg:$0x1b];
	[sflag:s18] =	ssyncadd.s32 $0xFFFFEA80  }
0x22e: {  	[hbm:s31], [sflag:s29] =	dma.local [spmem:s14], $0x1580  }
0x22f: {  	_ =	swait.ge [sflag:s19], $0x1580  }
0x230: {  	[sflag:s19] =	ssyncset.done $0x0  }
0x231: {  	s30 =	rddreg [dreg:$0x1c];
	[sflag:s19] =	ssyncadd.s32 $0xFFFFEA80  }
0x232: {  	[spmem:s14], [sflag:s7] =	dma.local [hbm:s30], $0x1580  }
0x233: {  	_ =	swait.ge [sflag:s16], $0x1580  }
0x234: {  	[sflag:s16] =	ssyncset.done $0x0  }
0x235: {  	s31 =	rddreg [dreg:$0x1d];
	[sflag:s16] =	ssyncadd.s32 $0xFFFFEA80  }
0x236: {  	[hbm:s31], [sflag:s28] =	dma.local [spmem:s11], $0x1580  }
0x237: {  	_ =	swait.ge [sflag:s13], $0x1580  }
0x238: {  	[sflag:s13] =	ssyncset.done $0x0  }
0x239: {  	s30 =	rddreg [dreg:$0x1e];
	[sflag:s13] =	ssyncadd.s32 $0xFFFFEA80  }
0x23a: {  	[spmem:s11], [sflag:s0] =	dma.local [hbm:s30], $0x1580  }
0x23b: {  	_ =	swait.ge [sflag:s18], $0x1580  }
0x23c: {  	[sflag:s18] =	ssyncset.done $0x0  }
0x23d: {  	s31 =	rddreg [dreg:$0x1f];
	[sflag:s18] =	ssyncadd.s32 $0xFFFFEA80  }
0x23e: {  	[hbm:s31], [sflag:s29] =	dma.local [spmem:s14], $0x1580  }
0x23f: {  	_ =	swait.ge [sflag:s19], $0x1580  }
0x240: {  	s30 =	sld [smem:$0x7FB]  }
0x241: {  	[sflag:s19] =	ssyncset.done $0x0  }
0x242: {  	[sflag:s19] =	ssyncadd.s32 $0xFFFFEA80  }
0x243: {  	[spmem:s14], [sflag:s7] =	dma.local [hbm:s30], $0x1580  }
0x244: {  	_ =	swait.ge [sflag:s16], $0x1580  }
0x245: {  	s31 =	sld [smem:$0x7FC]  }
0x246: {  	[sflag:s16] =	ssyncset.done $0x0  }
0x247: {  	[sflag:s16] =	ssyncadd.s32 $0xFFFFEA80  }
0x248: {  	[hbm:s31], [sflag:s28] =	dma.local [spmem:s11], $0x1580  }
0x249: {  	_ =	swait.ge [sflag:s13], $0x1580  }
0x24a: {  	s30 =	sld [smem:$0x7FD]  }
0x24b: {  	[sflag:s13] =	ssyncset.done $0x0  }
0x24c: {  	[sflag:s13] =	ssyncadd.s32 $0xFFFFEA80  }
0x24d: {  	[spmem:s11], [sflag:s0] =	dma.local [hbm:s30], $0x1580  }
0x24e: {  	_ =	swait.ge [sflag:s18], $0x1580  }
0x24f: {  	[sflag:s18] =	ssyncset.done $0x0  }
0x250: {  	[sflag:s18] =	ssyncadd.s32 $0xFFFFEA80  }
0x251: {  	[hbm:s26], [sflag:s29] =	dma.local [spmem:s14], $0x1580  }
0x252: {  	_ =	swait.ge [sflag:s19], $0x1580  }
0x253: {  	[sflag:s19] =	ssyncset.done $0x0  }
0x254: {  	[sflag:s19] =	ssyncadd.s32 $0xFFFFEA80  }
0x255: {  	[spmem:s14], [sflag:s7] =	dma.local [hbm:s15], $0x1580  }
0x256: {  	_ =	swait.ge [sflag:s16], $0x1580  }
0x257: {  	[sflag:s16] =	ssyncset.done $0x0  }
0x258: {  	[sflag:s16] =	ssyncadd.s32 $0xFFFFEA80  }
0x259: {  	[hbm:s25], [sflag:s28] =	dma.local [spmem:s11], $0x1580  }
0x25a: {  	_ =	swait.ge [sflag:s13], $0x1580  }
0x25b: {  	[sflag:s13] =	ssyncset.done $0x0  }
0x25c: {  	[sflag:s13] =	ssyncadd.s32 $0xFFFFEA80  }
0x25d: {  	[spmem:s11], [sflag:s0] =	dma.local [hbm:s9], $0x1580  }
0x25e: {  	_ =	swait.ge [sflag:s18], $0x1580  }
0x25f: {  	[sflag:s18] =	ssyncset.done $0x0  }
0x260: {  	[sflag:s18] =	ssyncadd.s32 $0xFFFFEA80  }
0x261: {  	[hbm:s24], [sflag:s29] =	dma.local [spmem:s14], $0x1580  }
0x262: {  	_ =	swait.ge [sflag:s19], $0x1580  }
0x263: {  	[sflag:s19] =	ssyncset.done $0x0  }
0x264: {  	[sflag:s19] =	ssyncadd.s32 $0xFFFFEA80  }
0x265: {  	[spmem:s14], [sflag:s7] =	dma.local [hbm:s10], $0x1580  }
0x266: {  	_ =	swait.ge [sflag:s16], $0x1580  }
0x267: {  	[sflag:s16] =	ssyncset.done $0x0  }
0x268: {  	[sflag:s16] =	ssyncadd.s32 $0xFFFFEA80  }
0x269: {  	[hbm:s23], [sflag:s28] =	dma.local [spmem:s11], $0x1580  }
0x26a: {  	_ =	swait.ge [sflag:s13], $0x1580  }
0x26b: {  	[sflag:s13] =	ssyncset.done $0x0  }
0x26c: {  	[sflag:s13] =	ssyncadd.s32 $0xFFFFEA80  }
0x26d: {  	[spmem:s11], [sflag:s0] =	dma.local [hbm:s6], $0x1580  }
0x26e: {  	_ =	swait.ge [sflag:s18], $0x1580  }
0x26f: {  	[sflag:s18] =	ssyncset.done $0x0  }
0x270: {  	[sflag:s18] =	ssyncadd.s32 $0xFFFFEA80  }
0x271: {  	[hbm:s22], [sflag:s29] =	dma.local [spmem:s14], $0x1580  }
0x272: {  	_ =	swait.ge [sflag:s19], $0x1580  }
0x273: {  	[sflag:s19] =	ssyncset.done $0x0  }
0x274: {  	[sflag:s19] =	ssyncadd.s32 $0xFFFFEA80  }
0x275: {  	[spmem:s14], [sflag:s7] =	dma.local [hbm:s4], $0x1580  }
0x276: {  	_ =	swait.ge [sflag:s16], $0x1580  }
0x277: {  	[sflag:s16] =	ssyncset.done $0x0  }
0x278: {  	[sflag:s16] =	ssyncadd.s32 $0xFFFFEA80  }
0x279: {  	[hbm:s21], [sflag:s28] =	dma.local [spmem:s11], $0x1580  }
0x27a: {  	_ =	swait.ge [sflag:s13], $0x1580  }
0x27b: {  	[sflag:s13] =	ssyncset.done $0x0  }
0x27c: {  	[sflag:s13] =	ssyncadd.s32 $0xFFFFEA80  }
0x27d: {  	[spmem:s11], [sflag:s0] =	dma.local [hbm:s5], $0x1580  }
0x27e: {  	_ =	swait.ge [sflag:s18], $0x1580  }
0x27f: {  	[sflag:s18] =	ssyncset.done $0x0  }
0x280: {  	[sflag:s18] =	ssyncadd.s32 $0xFFFFEA80  }
0x281: {  	[hbm:s20], [sflag:s29] =	dma.local [spmem:s14], $0x1580  }
0x282: {  	_ =	swait.ge [sflag:s19], $0x1580  }
0x283: {  	[sflag:s19] =	ssyncset.done $0x0  }
0x284: {  	[sflag:s19] =	ssyncadd.s32 $0xFFFFEA80  }
0x285: {  	[spmem:s14], [sflag:s7] =	dma.local [hbm:s3], $0x1580  }
0x286: {  	_ =	swait.ge [sflag:s16], $0x1580  }
0x287: {  	[sflag:s16] =	ssyncset.done $0x0  }
0x288: {  	[sflag:s16] =	ssyncadd.s32 $0xFFFFEA80  }
0x289: {  	[hbm:s17], [sflag:s28] =	dma.local [spmem:s11], $0x1580  }
0x28a: {  	_ =	swait.ge [sflag:s13], $0x1580  }
0x28b: {  	[sflag:s13] =	ssyncset.done $0x0  }
0x28c: {  	[sflag:s13] =	ssyncadd.s32 $0xFFFFEA80  }
0x28d: {  	[spmem:s11], [sflag:s0] =	dma.local [hbm:s2], $0x1580  }
0x28e: {  	_ =	swait.ge [sflag:s18], $0x1580  }
0x28f: {  	[sflag:s18] =	ssyncset.done $0x0  }
0x290: {  	[sflag:s18] =	ssyncadd.s32 $0xFFFFEA80  }
0x291: {  	[hbm:s12], [sflag:s29] =	dma.local [spmem:s14], $0x1580  }
0x292: {  	_ =	swait.ge [sflag:s19], $0x1580  }
0x293: {  	[sflag:s19] =	ssyncset.done $0x0  }
0x294: {  	[sflag:s19] =	ssyncadd.s32 $0xFFFFEA80  }
0x295: {  	_ =	swait.ge [sflag:s16], $0x1580  }
0x296: {  	[sflag:s16] =	ssyncset.done $0x0  }
0x297: {  	[sflag:s16] =	ssyncadd.s32 $0xFFFFEA80  }
0x298: {  	[hbm:s8], [sflag:s28] =	dma.local [spmem:s11], $0x1580  }
0x299: {  	_ =	swait.ge [sflag:s13], $0x1580  }
0x29a: {  	[sflag:s13] =	ssyncset.done $0x0  }
0x29b: {  	[sflag:s13] =	ssyncadd.s32 $0xFFFFEA80  }
0x29c: {  	_ =	sfence.sel $0x180000  }
0x29d: {  	[bflag:$0x0] =	sbarrier.arrive $0xFFFF  }
0x29e: {  	_ =	strace $0x90000047  }
0x29f: {  	s31 =	stileid.u32;
	[bflag:$0x2] =	sbarrier.arrive $0xFFFF  }
0x2a0: {  	p0 =	sne.s32 s31, $0x0;
	s0 =	rddreg [dreg:$0x4]  }
0x2a1: {  	s0 =	sadd.s32 @!p0 $0x100000, s0  }
0x2a2: {  	[sflag:s0] =	ssyncadd.tile.s32 @!p0 $0x1;
	_ =	shalt  }
.Lfunc_end2:
_tile_overlayer_lowered:
.L_overlay_start_2:
0x2a3: {  	(tag) =	ssettag $0x2  }
0x2a4: {  	s0 =	rddreg [dreg:$0x0];
	s2 =	stileid.u32  }
0x2a5: {  	s1 =	rddreg [dreg:$0x1];
	p0 =	sne.s32 s2, $0x0  }
0x2a6: {  	s3 =	rddreg [dreg:$0x2];
	[bflag:$0x3] =	sbarrier.arrive $0xFFFF;
	s2 =	simm.s32 @!p0 $0x1C05  }
0x2a7: {  	[timem:s3], [sflag:s2] =	dma.local @!p0 [hbm:s0], s1  }
0x2a8: {  	s0 =	simm.s32 @!p0 $0x5  }
0x2a9: {  	_ =	swait.ge @!p0 [sflag:s0], s1  }
0x2aa: {  	s1 =	ssub.s32 @!p0 $0x0, s1;
	[sflag:s0] =	ssyncset.done @!p0 $0x0  }
0x2ab: {  	[sflag:s0] =	ssyncadd.s32 @!p0 s1  }
0x2ac: {  	[bflag:$0x3] =	sbarrier.arrive $0xFFFF  }
0x2ad: {  	_ =	shalt  }

</sc_bundles>
